<compile_context>
chip_gen: v7x
topology: tpu7x:2x2x1
jax: 0.10.2.dev20260603
libtpu: 0.0.44.dev20260713+nightly
codegen_flags: <defaults>
</compile_context>

<pallas_src>
import functools

import jax
import jax.numpy as jnp
from jax import lax
from jax.experimental import pallas as pl
from jax.experimental.pallas import tpu as pltpu
from jax.experimental.pallas import tpu_sc as plsc

N_ROWS = 1000000
N_CLS = 100
N_BIN = 10
BN = 2048
GRID = -(-N_ROWS // BN)
GRID0 = 245
GRID1 = GRID - GRID0

NC = 2
NS = 16
NW = NC * NS


def _tc_body(xt_ref, lab_ref, out_hbm, buf_ref, sems, *, block_off, n_blocks):
    i = pl.program_id(0)
    slot = lax.rem(i, 2)

    xt = xt_ref[...]
    lab = lab_ref[0, 0, :]
    e = jnp.exp(xt)
    s = jnp.sum(e, axis=0)
    m = jnp.max(e, axis=0, keepdims=True)
    conf = m[0, :] / s
    hits = (e == m).astype(jnp.float32)
    iota_row = lax.broadcasted_iota(jnp.int32, (8, N_CLS), 1).astype(jnp.float32)
    amf = jnp.dot(
        iota_row, hits, preferred_element_type=jnp.float32
    )[0, :]
    signed = jnp.where(amf == lab.astype(jnp.float32), conf, -conf)
    gidx = (block_off + i) * BN + lax.iota(jnp.int32, BN)
    signed = jnp.where(gidx < N_ROWS, signed, 0.0)

    @pl.when(i >= 2)
    def _wait_prev():
        pltpu.make_async_copy(
            buf_ref.at[slot], out_hbm.at[pl.ds((i - 2) * BN, BN)],
            sems.at[slot],
        ).wait()

    @pl.when(slot == 0)
    def _st0():
        buf_ref[0, :] = signed

    @pl.when(slot == 1)
    def _st1():
        buf_ref[1, :] = signed

    pltpu.make_async_copy(
        buf_ref.at[slot], out_hbm.at[pl.ds(i * BN, BN)], sems.at[slot]
    ).start()

    @pl.when(i == n_blocks - 1)
    def _drain():
        pltpu.make_async_copy(
            buf_ref.at[1 - slot], out_hbm.at[pl.ds((i - 1) * BN, BN)],
            sems.at[1 - slot],
        ).wait()
        pltpu.make_async_copy(
            buf_ref.at[slot], out_hbm.at[pl.ds(i * BN, BN)], sems.at[slot]
        ).wait()


def _sc_body(comb_hbm, out_hbm, comb_v, stage_v, cnt_flat, cf_flat, ac_flat,
             *, pw):
    wid = lax.axis_index("s") * NC + lax.axis_index("c")
    base = wid * pw
    pltpu.sync_copy(comb_hbm.at[pl.ds(base, pw)], comb_v)

    zero = jnp.zeros((16,), jnp.float32)
    for r in range(16):
        cnt_flat[pl.ds(r * 16, 16)] = zero
        cf_flat[pl.ds(r * 16, 16)] = zero
        ac_flat[pl.ds(r * 16, 16)] = zero

    lane = lax.iota(jnp.int32, 16)
    ones = jnp.ones((16,), jnp.float32)
    zeros_f = jnp.zeros((16,), jnp.float32)
    ten = jnp.full((16,), 10.0, jnp.float32)
    ones_i = jnp.ones((16,), jnp.int32)
    zeros_i = jnp.zeros((16,), jnp.int32)

    def step(k, carry):
        v = comb_v[pl.ds(k * 16, 16)]
        a = jnp.where(v > zeros_f, ones, zeros_f)
        c = jnp.abs(v)
        c10 = c * ten
        t = c10.astype(jnp.int32)
        b = t - jnp.where(t.astype(jnp.float32) == c10, ones_i, zeros_i)
        b = jnp.maximum(b, zeros_i)
        b = jnp.where(c10 > zeros_f, b, jnp.full((16,), 15, jnp.int32))
        flat = lane * 16 + b
        plsc.addupdate_scatter(cnt_flat, [flat], ones)
        plsc.addupdate_scatter(cf_flat, [flat], c)
        plsc.addupdate_scatter(ac_flat, [flat], a)
        return carry

    lax.fori_loop(0, pw // 16, step, 0)

    tc = cnt_flat[pl.ds(0, 16)]
    tf = cf_flat[pl.ds(0, 16)]
    ta = ac_flat[pl.ds(0, 16)]
    for r in range(1, 16):
        tc = tc + cnt_flat[pl.ds(r * 16, 16)]
        tf = tf + cf_flat[pl.ds(r * 16, 16)]
        ta = ta + ac_flat[pl.ds(r * 16, 16)]
    stage_v[0, :] = tc
    stage_v[1, :] = tf
    stage_v[2, :] = ta
    pltpu.sync_copy(stage_v, out_hbm.at[wid])


def _make_sc_hist(pw):
    @functools.partial(
        pl.kernel,
        mesh=plsc.VectorSubcoreMesh(core_axis_name="c", subcore_axis_name="s"),
        out_type=jax.ShapeDtypeStruct((NW, 3, 16), jnp.float32),
        compiler_params=pltpu.CompilerParams(needs_layout_passes=False),
        scratch_types=[
            pltpu.VMEM((pw,), jnp.float32),
            pltpu.VMEM((3, 16), jnp.float32),
            pltpu.VMEM((256,), jnp.float32),
            pltpu.VMEM((256,), jnp.float32),
            pltpu.VMEM((256,), jnp.float32),
        ],
    )
    def _sc_hist(comb_hbm, out_hbm, comb_v, stage_v, cnt_flat, cf_flat,
                 ac_flat):
        _sc_body(comb_hbm, out_hbm, comb_v, stage_v, cnt_flat, cf_flat,
                 ac_flat, pw=pw)

    return _sc_hist


_sc_hist0 = _make_sc_hist(GRID0 * BN // NW)
_sc_hist1 = _make_sc_hist(GRID1 * BN // NW)


def _tc_half(lt, labels_p, block_off, n_blocks):
    body = functools.partial(
        _tc_body, block_off=block_off, n_blocks=n_blocks
    )
    return pl.pallas_call(
        body,
        grid=(n_blocks,),
        in_specs=[
            pl.BlockSpec((N_CLS, BN), lambda i: (0, i + block_off)),
            pl.BlockSpec((1, 1, BN), lambda i: (i + block_off, 0, 0)),
        ],
        out_specs=pl.BlockSpec(memory_space=pl.ANY),
        out_shape=jax.ShapeDtypeStruct((n_blocks * BN,), jnp.float32),
        scratch_shapes=[
            pltpu.VMEM((2, BN), jnp.float32),
            pltpu.SemaphoreType.DMA((2,)),
        ],
    )(lt, labels_p)


def kernel(logits, labels):
    lt = logits.T
    labels_p = jnp.concatenate(
        [labels.astype(jnp.int32),
         jnp.zeros((GRID * BN - N_ROWS,), jnp.int32)]
    ).reshape(GRID, 1, BN)
    comb0 = _tc_half(lt, labels_p, 0, GRID0)
    partials0 = _sc_hist0(comb0)
    comb1 = _tc_half(lt, labels_p, GRID0, GRID1)
    partials1 = _sc_hist1(comb1)
    sums = jnp.sum(partials0, axis=0) + jnp.sum(partials1, axis=0)
    cnt = sums[0, :N_BIN]
    sc = sums[1, :N_BIN]
    sa = sums[2, :N_BIN]
    safe = jnp.maximum(cnt, 1.0)
    contrib = jnp.abs(sc / safe - sa / safe) * (cnt / float(N_ROWS))
    ece = jnp.sum(jnp.where(cnt > 0.0, contrib, 0.0))
    return ece.reshape(1)

# --- scband reference (transcript-rebuilt; emitter-appended) ---
"""Pipeline reference for scband-eceloss-1125281432119 (READ-ONLY COPY).

The authoritative reference and input builder live on the scoring server;
editing this copy changes nothing except your own understanding.
"""

import jax, jax.numpy as jnp
import numpy as np

N_BINS = 10
N = 1000000
C = 100


def setup_inputs(seed: int = 0) -> dict:
    key = jax.random.key(seed)
    k1, k2 = jax.random.split(key)
    logits = jax.random.normal(k1, (N, C), dtype=jnp.float32)
    labels = jax.random.randint(k2, (N,), 0, C, dtype=jnp.int64)
    return {"logits": logits, "labels": labels}


def reference(logits, labels):
    bin_boundaries = jnp.linspace(0.0, 1.0, N_BINS + 1)
    softmaxes = jax.nn.softmax(logits, axis=1)
    confidences = jnp.max(softmaxes, axis=1)
    predictions = jnp.argmax(softmaxes, axis=1)
    accuracies = (predictions == labels).astype(jnp.float32)
    ece = jnp.zeros((1,), dtype=jnp.float32)
    for i in range(N_BINS):
        bin_lower = bin_boundaries[i]
        bin_upper = bin_boundaries[i + 1]
        in_bin = jnp.logical_and(confidences > bin_lower, confidences <= bin_upper)
        in_bin_f = in_bin.astype(jnp.float32)
        prop_in_bin = jnp.mean(in_bin_f)
        count = jnp.sum(in_bin_f)
        safe_count = jnp.maximum(count, 1.0)
        accuracy_in_bin = jnp.sum(accuracies * in_bin_f) / safe_count
        avg_confidence_in_bin = jnp.sum(confidences * in_bin_f) / safe_count
        contrib = jnp.abs(avg_confidence_in_bin - accuracy_in_bin) * prop_in_bin
        ece = ece + jnp.where(prop_in_bin > 0, contrib, 0.0)
    return ece

if __name__ == "__main__":
    import jax
    _d = setup_inputs()
    print(jax.jit(kernel)(*tuple(_d.values())))

</pallas_src>

<mosaic_0001>
#map = affine_map<(d0, d1) -> (0)>
#map1 = affine_map<(d0, d1) -> (0, 0, 0)>
module attributes {stable_mosaic.version = 14 : i64} {
  func.func @_sc_hist(%arg0: i32, %arg1: i32, %arg2: memref<501760xf32, #tpu.memory_space<hbm>>, %arg3: memref<32x3x16xf32, #tpu.memory_space<hbm>>, %arg4: memref<15680xf32, #tpu.memory_space<vmem>>, %arg5: memref<3x16xf32, #tpu.memory_space<vmem>>, %arg6: memref<256xf32, #tpu.memory_space<vmem>>, %arg7: memref<256xf32, #tpu.memory_space<vmem>>, %arg8: memref<256xf32, #tpu.memory_space<vmem>>) attributes {dimension_semantics = [#tpu.dimension_semantics<core_parallel>, #tpu.dimension_semantics<subcore_parallel>], iteration_bounds = array<i64: 2, 16>, scalar_prefetch = 0 : i64, scratch_operands = 5 : i64, tpu.core_type = #tpu.core_type<sc_vector_subcore>, window_params = [{transform_indices = #map}, {transform_indices = #map1}]} {
    %mul3A = arith.constant 2 : i32
    %mul3A_0 = arith.muli %arg1, %mul3A : i32
    %add3A = arith.addi %mul3A_0, %arg0 : i32
    %mul3A_1 = arith.constant 15680 : i32
    %mul3A_2 = arith.muli %add3A, %mul3A_1 : i32
    "tpu.region"() ({
      %run_scoped3A = tpu.sem_alloc : memref<!tpu.dma_semaphore, #tpu.memory_space<semaphore_mem>>
      %dma_start3A = tpu.memref_slice %arg2[%mul3A_2] : memref<501760xf32, #tpu.memory_space<hbm>> -> memref<15680xf32, #tpu.memory_space<hbm>>
      %dma_start3A_266 = tpu.memref_slice %arg2[%mul3A_2] : memref<501760xf32, #tpu.memory_space<hbm>> -> memref<15680xf32, #tpu.memory_space<hbm>>
      tpu.enqueue_dma source(%dma_start3A_266 : memref<15680xf32, #tpu.memory_space<hbm>>) target(%arg4 : memref<15680xf32, #tpu.memory_space<vmem>>) target_semaphore(%run_scoped3A : memref<!tpu.dma_semaphore, #tpu.memory_space<semaphore_mem>>)
      %dma_wait3A = tpu.memref_slice %arg2[%mul3A_2] : memref<501760xf32, #tpu.memory_space<hbm>> -> memref<15680xf32, #tpu.memory_space<hbm>>
      %dma_wait3A_267 = tpu.memref_slice %arg2[%mul3A_2] : memref<501760xf32, #tpu.memory_space<hbm>> -> memref<15680xf32, #tpu.memory_space<hbm>>
      tpu.wait_dma2 semaphore(%run_scoped3A : memref<!tpu.dma_semaphore, #tpu.memory_space<semaphore_mem>>) src(%dma_wait3A_267 : memref<15680xf32, #tpu.memory_space<hbm>>) dst(%arg4 : memref<15680xf32, #tpu.memory_space<vmem>>)
      tpu.yield
    }) : () -> ()
    %broadcast_in_dim3A = arith.constant 0.000000e+00 : f32
    %broadcast_in_dim3A_3 = vector.broadcast %broadcast_in_dim3A : f32 to vector<16xf32>
    %swap3A = arith.constant 0 : index
    %swap3A_4 = tpu.vector_load %arg6[%swap3A] {strides = array<i32>} : memref<256xf32, #tpu.memory_space<vmem>>, vector<16xf32>,
    tpu.vector_store %arg6[%swap3A], %broadcast_in_dim3A_3 {strides = array<i32>} : memref<256xf32, #tpu.memory_space<vmem>>, vector<16xf32>,
    %swap3A_5 = arith.constant 0 : index
    %swap3A_6 = tpu.vector_load %arg7[%swap3A_5] {strides = array<i32>} : memref<256xf32, #tpu.memory_space<vmem>>, vector<16xf32>,
    tpu.vector_store %arg7[%swap3A_5], %broadcast_in_dim3A_3 {strides = array<i32>} : memref<256xf32, #tpu.memory_space<vmem>>, vector<16xf32>,
    %swap3A_7 = arith.constant 0 : index
    %swap3A_8 = tpu.vector_load %arg8[%swap3A_7] {strides = array<i32>} : memref<256xf32, #tpu.memory_space<vmem>>, vector<16xf32>,
    tpu.vector_store %arg8[%swap3A_7], %broadcast_in_dim3A_3 {strides = array<i32>} : memref<256xf32, #tpu.memory_space<vmem>>, vector<16xf32>,
    %swap3A_9 = arith.constant 16 : index
    %swap3A_10 = tpu.vector_load %arg6[%swap3A_9] {strides = array<i32>} : memref<256xf32, #tpu.memory_space<vmem>>, vector<16xf32>,
    tpu.vector_store %arg6[%swap3A_9], %broadcast_in_dim3A_3 {strides = array<i32>} : memref<256xf32, #tpu.memory_space<vmem>>, vector<16xf32>,
    %swap3A_11 = arith.constant 16 : index
    %swap3A_12 = tpu.vector_load %arg7[%swap3A_11] {strides = array<i32>} : memref<256xf32, #tpu.memory_space<vmem>>, vector<16xf32>,
    tpu.vector_store %arg7[%swap3A_11], %broadcast_in_dim3A_3 {strides = array<i32>} : memref<256xf32, #tpu.memory_space<vmem>>, vector<16xf32>,
    %swap3A_13 = arith.constant 16 : index
    %swap3A_14 = tpu.vector_load %arg8[%swap3A_13] {strides = array<i32>} : memref<256xf32, #tpu.memory_space<vmem>>, vector<16xf32>,
    tpu.vector_store %arg8[%swap3A_13], %broadcast_in_dim3A_3 {strides = array<i32>} : memref<256xf32, #tpu.memory_space<vmem>>, vector<16xf32>,
    %swap3A_15 = arith.constant 32 : index
    %swap3A_16 = tpu.vector_load %arg6[%swap3A_15] {strides = array<i32>} : memref<256xf32, #tpu.memory_space<vmem>>, vector<16xf32>,
    tpu.vector_store %arg6[%swap3A_15], %broadcast_in_dim3A_3 {strides = array<i32>} : memref<256xf32, #tpu.memory_space<vmem>>, vector<16xf32>,
    %swap3A_17 = arith.constant 32 : index
    %swap3A_18 = tpu.vector_load %arg7[%swap3A_17] {strides = array<i32>} : memref<256xf32, #tpu.memory_space<vmem>>, vector<16xf32>,
    tpu.vector_store %arg7[%swap3A_17], %broadcast_in_dim3A_3 {strides = array<i32>} : memref<256xf32, #tpu.memory_space<vmem>>, vector<16xf32>,
    %swap3A_19 = arith.constant 32 : index
    %swap3A_20 = tpu.vector_load %arg8[%swap3A_19] {strides = array<i32>} : memref<256xf32, #tpu.memory_space<vmem>>, vector<16xf32>,
    tpu.vector_store %arg8[%swap3A_19], %broadcast_in_dim3A_3 {strides = array<i32>} : memref<256xf32, #tpu.memory_space<vmem>>, vector<16xf32>,
    %swap3A_21 = arith.constant 48 : index
    %swap3A_22 = tpu.vector_load %arg6[%swap3A_21] {strides = array<i32>} : memref<256xf32, #tpu.memory_space<vmem>>, vector<16xf32>,
    tpu.vector_store %arg6[%swap3A_21], %broadcast_in_dim3A_3 {strides = array<i32>} : memref<256xf32, #tpu.memory_space<vmem>>, vector<16xf32>,
    %swap3A_23 = arith.constant 48 : index
    %swap3A_24 = tpu.vector_load %arg7[%swap3A_23] {strides = array<i32>} : memref<256xf32, #tpu.memory_space<vmem>>, vector<16xf32>,
    tpu.vector_store %arg7[%swap3A_23], %broadcast_in_dim3A_3 {strides = array<i32>} : memref<256xf32, #tpu.memory_space<vmem>>, vector<16xf32>,
    %swap3A_25 = arith.constant 48 : index
    %swap3A_26 = tpu.vector_load %arg8[%swap3A_25] {strides = array<i32>} : memref<256xf32, #tpu.memory_space<vmem>>, vector<16xf32>,
    tpu.vector_store %arg8[%swap3A_25], %broadcast_in_dim3A_3 {strides = array<i32>} : memref<256xf32, #tpu.memory_space<vmem>>, vector<16xf32>,
    %swap3A_27 = arith.constant 64 : index
    %swap3A_28 = tpu.vector_load %arg6[%swap3A_27] {strides = array<i32>} : memref<256xf32, #tpu.memory_space<vmem>>, vector<16xf32>,
    tpu.vector_store %arg6[%swap3A_27], %broadcast_in_dim3A_3 {strides = array<i32>} : memref<256xf32, #tpu.memory_space<vmem>>, vector<16xf32>,
    %swap3A_29 = arith.constant 64 : index
    %swap3A_30 = tpu.vector_load %arg7[%swap3A_29] {strides = array<i32>} : memref<256xf32, #tpu.memory_space<vmem>>, vector<16xf32>,
    tpu.vector_store %arg7[%swap3A_29], %broadcast_in_dim3A_3 {strides = array<i32>} : memref<256xf32, #tpu.memory_space<vmem>>, vector<16xf32>,
    %swap3A_31 = arith.constant 64 : index
    %swap3A_32 = tpu.vector_load %arg8[%swap3A_31] {strides = array<i32>} : memref<256xf32, #tpu.memory_space<vmem>>, vector<16xf32>,
    tpu.vector_store %arg8[%swap3A_31], %broadcast_in_dim3A_3 {strides = array<i32>} : memref<256xf32, #tpu.memory_space<vmem>>, vector<16xf32>,
    %swap3A_33 = arith.constant 80 : index
    %swap3A_34 = tpu.vector_load %arg6[%swap3A_33] {strides = array<i32>} : memref<256xf32, #tpu.memory_space<vmem>>, vector<16xf32>,
    tpu.vector_store %arg6[%swap3A_33], %broadcast_in_dim3A_3 {strides = array<i32>} : memref<256xf32, #tpu.memory_space<vmem>>, vector<16xf32>,
    %swap3A_35 = arith.constant 80 : index
    %swap3A_36 = tpu.vector_load %arg7[%swap3A_35] {strides = array<i32>} : memref<256xf32, #tpu.memory_space<vmem>>, vector<16xf32>,
    tpu.vector_store %arg7[%swap3A_35], %broadcast_in_dim3A_3 {strides = array<i32>} : memref<256xf32, #tpu.memory_space<vmem>>, vector<16xf32>,
    %swap3A_37 = arith.constant 80 : index
    %swap3A_38 = tpu.vector_load %arg8[%swap3A_37] {strides = array<i32>} : memref<256xf32, #tpu.memory_space<vmem>>, vector<16xf32>,
    tpu.vector_store %arg8[%swap3A_37], %broadcast_in_dim3A_3 {strides = array<i32>} : memref<256xf32, #tpu.memory_space<vmem>>, vector<16xf32>,
    %swap3A_39 = arith.constant 96 : index
    %swap3A_40 = tpu.vector_load %arg6[%swap3A_39] {strides = array<i32>} : memref<256xf32, #tpu.memory_space<vmem>>, vector<16xf32>,
    tpu.vector_store %arg6[%swap3A_39], %broadcast_in_dim3A_3 {strides = array<i32>} : memref<256xf32, #tpu.memory_space<vmem>>, vector<16xf32>,
    %swap3A_41 = arith.constant 96 : index
    %swap3A_42 = tpu.vector_load %arg7[%swap3A_41] {strides = array<i32>} : memref<256xf32, #tpu.memory_space<vmem>>, vector<16xf32>,
    tpu.vector_store %arg7[%swap3A_41], %broadcast_in_dim3A_3 {strides = array<i32>} : memref<256xf32, #tpu.memory_space<vmem>>, vector<16xf32>,
    %swap3A_43 = arith.constant 96 : index
    %swap3A_44 = tpu.vector_load %arg8[%swap3A_43] {strides = array<i32>} : memref<256xf32, #tpu.memory_space<vmem>>, vector<16xf32>,
    tpu.vector_store %arg8[%swap3A_43], %broadcast_in_dim3A_3 {strides = array<i32>} : memref<256xf32, #tpu.memory_space<vmem>>, vector<16xf32>,
    %swap3A_45 = arith.constant 112 : index
    %swap3A_46 = tpu.vector_load %arg6[%swap3A_45] {strides = array<i32>} : memref<256xf32, #tpu.memory_space<vmem>>, vector<16xf32>,
    tpu.vector_store %arg6[%swap3A_45], %broadcast_in_dim3A_3 {strides = array<i32>} : memref<256xf32, #tpu.memory_space<vmem>>, vector<16xf32>,
    %swap3A_47 = arith.constant 112 : index
    %swap3A_48 = tpu.vector_load %arg7[%swap3A_47] {strides = array<i32>} : memref<256xf32, #tpu.memory_space<vmem>>, vector<16xf32>,
    tpu.vector_store %arg7[%swap3A_47], %broadcast_in_dim3A_3 {strides = array<i32>} : memref<256xf32, #tpu.memory_space<vmem>>, vector<16xf32>,
    %swap3A_49 = arith.constant 112 : index
    %swap3A_50 = tpu.vector_load %arg8[%swap3A_49] {strides = array<i32>} : memref<256xf32, #tpu.memory_space<vmem>>, vector<16xf32>,
    tpu.vector_store %arg8[%swap3A_49], %broadcast_in_dim3A_3 {strides = array<i32>} : memref<256xf32, #tpu.memory_space<vmem>>, vector<16xf32>,
    %swap3A_51 = arith.constant 128 : index
    %swap3A_52 = tpu.vector_load %arg6[%swap3A_51] {strides = array<i32>} : memref<256xf32, #tpu.memory_space<vmem>>, vector<16xf32>,
    tpu.vector_store %arg6[%swap3A_51], %broadcast_in_dim3A_3 {strides = array<i32>} : memref<256xf32, #tpu.memory_space<vmem>>, vector<16xf32>,
    %swap3A_53 = arith.constant 128 : index
    %swap3A_54 = tpu.vector_load %arg7[%swap3A_53] {strides = array<i32>} : memref<256xf32, #tpu.memory_space<vmem>>, vector<16xf32>,
    tpu.vector_store %arg7[%swap3A_53], %broadcast_in_dim3A_3 {strides = array<i32>} : memref<256xf32, #tpu.memory_space<vmem>>, vector<16xf32>,
    %swap3A_55 = arith.constant 128 : index
    %swap3A_56 = tpu.vector_load %arg8[%swap3A_55] {strides = array<i32>} : memref<256xf32, #tpu.memory_space<vmem>>, vector<16xf32>,
    tpu.vector_store %arg8[%swap3A_55], %broadcast_in_dim3A_3 {strides = array<i32>} : memref<256xf32, #tpu.memory_space<vmem>>, vector<16xf32>,
    %swap3A_57 = arith.constant 144 : index
    %swap3A_58 = tpu.vector_load %arg6[%swap3A_57] {strides = array<i32>} : memref<256xf32, #tpu.memory_space<vmem>>, vector<16xf32>,
    tpu.vector_store %arg6[%swap3A_57], %broadcast_in_dim3A_3 {strides = array<i32>} : memref<256xf32, #tpu.memory_space<vmem>>, vector<16xf32>,
    %swap3A_59 = arith.constant 144 : index
    %swap3A_60 = tpu.vector_load %arg7[%swap3A_59] {strides = array<i32>} : memref<256xf32, #tpu.memory_space<vmem>>, vector<16xf32>,
    tpu.vector_store %arg7[%swap3A_59], %broadcast_in_dim3A_3 {strides = array<i32>} : memref<256xf32, #tpu.memory_space<vmem>>, vector<16xf32>,
    %swap3A_61 = arith.constant 144 : index
    %swap3A_62 = tpu.vector_load %arg8[%swap3A_61] {strides = array<i32>} : memref<256xf32, #tpu.memory_space<vmem>>, vector<16xf32>,
    tpu.vector_store %arg8[%swap3A_61], %broadcast_in_dim3A_3 {strides = array<i32>} : memref<256xf32, #tpu.memory_space<vmem>>, vector<16xf32>,
    %swap3A_63 = arith.constant 160 : index
    %swap3A_64 = tpu.vector_load %arg6[%swap3A_63] {strides = array<i32>} : memref<256xf32, #tpu.memory_space<vmem>>, vector<16xf32>,
    tpu.vector_store %arg6[%swap3A_63], %broadcast_in_dim3A_3 {strides = array<i32>} : memref<256xf32, #tpu.memory_space<vmem>>, vector<16xf32>,
    %swap3A_65 = arith.constant 160 : index
    %swap3A_66 = tpu.vector_load %arg7[%swap3A_65] {strides = array<i32>} : memref<256xf32, #tpu.memory_space<vmem>>, vector<16xf32>,
    tpu.vector_store %arg7[%swap3A_65], %broadcast_in_dim3A_3 {strides = array<i32>} : memref<256xf32, #tpu.memory_space<vmem>>, vector<16xf32>,
    %swap3A_67 = arith.constant 160 : index
    %swap3A_68 = tpu.vector_load %arg8[%swap3A_67] {strides = array<i32>} : memref<256xf32, #tpu.memory_space<vmem>>, vector<16xf32>,
    tpu.vector_store %arg8[%swap3A_67], %broadcast_in_dim3A_3 {strides = array<i32>} : memref<256xf32, #tpu.memory_space<vmem>>, vector<16xf32>,
    %swap3A_69 = arith.constant 176 : index
    %swap3A_70 = tpu.vector_load %arg6[%swap3A_69] {strides = array<i32>} : memref<256xf32, #tpu.memory_space<vmem>>, vector<16xf32>,
    tpu.vector_store %arg6[%swap3A_69], %broadcast_in_dim3A_3 {strides = array<i32>} : memref<256xf32, #tpu.memory_space<vmem>>, vector<16xf32>,
    %swap3A_71 = arith.constant 176 : index
    %swap3A_72 = tpu.vector_load %arg7[%swap3A_71] {strides = array<i32>} : memref<256xf32, #tpu.memory_space<vmem>>, vector<16xf32>,
    tpu.vector_store %arg7[%swap3A_71], %broadcast_in_dim3A_3 {strides = array<i32>} : memref<256xf32, #tpu.memory_space<vmem>>, vector<16xf32>,
    %swap3A_73 = arith.constant 176 : index
    %swap3A_74 = tpu.vector_load %arg8[%swap3A_73] {strides = array<i32>} : memref<256xf32, #tpu.memory_space<vmem>>, vector<16xf32>,
    tpu.vector_store %arg8[%swap3A_73], %broadcast_in_dim3A_3 {strides = array<i32>} : memref<256xf32, #tpu.memory_space<vmem>>, vector<16xf32>,
    %swap3A_75 = arith.constant 192 : index
    %swap3A_76 = tpu.vector_load %arg6[%swap3A_75] {strides = array<i32>} : memref<256xf32, #tpu.memory_space<vmem>>, vector<16xf32>,
    tpu.vector_store %arg6[%swap3A_75], %broadcast_in_dim3A_3 {strides = array<i32>} : memref<256xf32, #tpu.memory_space<vmem>>, vector<16xf32>,
    %swap3A_77 = arith.constant 192 : index
    %swap3A_78 = tpu.vector_load %arg7[%swap3A_77] {strides = array<i32>} : memref<256xf32, #tpu.memory_space<vmem>>, vector<16xf32>,
    tpu.vector_store %arg7[%swap3A_77], %broadcast_in_dim3A_3 {strides = array<i32>} : memref<256xf32, #tpu.memory_space<vmem>>, vector<16xf32>,
    %swap3A_79 = arith.constant 192 : index
    %swap3A_80 = tpu.vector_load %arg8[%swap3A_79] {strides = array<i32>} : memref<256xf32, #tpu.memory_space<vmem>>, vector<16xf32>,
    tpu.vector_store %arg8[%swap3A_79], %broadcast_in_dim3A_3 {strides = array<i32>} : memref<256xf32, #tpu.memory_space<vmem>>, vector<16xf32>,
    %swap3A_81 = arith.constant 208 : index
    %swap3A_82 = tpu.vector_load %arg6[%swap3A_81] {strides = array<i32>} : memref<256xf32, #tpu.memory_space<vmem>>, vector<16xf32>,
    tpu.vector_store %arg6[%swap3A_81], %broadcast_in_dim3A_3 {strides = array<i32>} : memref<256xf32, #tpu.memory_space<vmem>>, vector<16xf32>,
    %swap3A_83 = arith.constant 208 : index
    %swap3A_84 = tpu.vector_load %arg7[%swap3A_83] {strides = array<i32>} : memref<256xf32, #tpu.memory_space<vmem>>, vector<16xf32>,
    tpu.vector_store %arg7[%swap3A_83], %broadcast_in_dim3A_3 {strides = array<i32>} : memref<256xf32, #tpu.memory_space<vmem>>, vector<16xf32>,
    %swap3A_85 = arith.constant 208 : index
    %swap3A_86 = tpu.vector_load %arg8[%swap3A_85] {strides = array<i32>} : memref<256xf32, #tpu.memory_space<vmem>>, vector<16xf32>,
    tpu.vector_store %arg8[%swap3A_85], %broadcast_in_dim3A_3 {strides = array<i32>} : memref<256xf32, #tpu.memory_space<vmem>>, vector<16xf32>,
    %swap3A_87 = arith.constant 224 : index
    %swap3A_88 = tpu.vector_load %arg6[%swap3A_87] {strides = array<i32>} : memref<256xf32, #tpu.memory_space<vmem>>, vector<16xf32>,
    tpu.vector_store %arg6[%swap3A_87], %broadcast_in_dim3A_3 {strides = array<i32>} : memref<256xf32, #tpu.memory_space<vmem>>, vector<16xf32>,
    %swap3A_89 = arith.constant 224 : index
    %swap3A_90 = tpu.vector_load %arg7[%swap3A_89] {strides = array<i32>} : memref<256xf32, #tpu.memory_space<vmem>>, vector<16xf32>,
    tpu.vector_store %arg7[%swap3A_89], %broadcast_in_dim3A_3 {strides = array<i32>} : memref<256xf32, #tpu.memory_space<vmem>>, vector<16xf32>,
    %swap3A_91 = arith.constant 224 : index
    %swap3A_92 = tpu.vector_load %arg8[%swap3A_91] {strides = array<i32>} : memref<256xf32, #tpu.memory_space<vmem>>, vector<16xf32>,
    tpu.vector_store %arg8[%swap3A_91], %broadcast_in_dim3A_3 {strides = array<i32>} : memref<256xf32, #tpu.memory_space<vmem>>, vector<16xf32>,
    %swap3A_93 = arith.constant 240 : index
    %swap3A_94 = tpu.vector_load %arg6[%swap3A_93] {strides = array<i32>} : memref<256xf32, #tpu.memory_space<vmem>>, vector<16xf32>,
    tpu.vector_store %arg6[%swap3A_93], %broadcast_in_dim3A_3 {strides = array<i32>} : memref<256xf32, #tpu.memory_space<vmem>>, vector<16xf32>,
    %swap3A_95 = arith.constant 240 : index
    %swap3A_96 = tpu.vector_load %arg7[%swap3A_95] {strides = array<i32>} : memref<256xf32, #tpu.memory_space<vmem>>, vector<16xf32>,
    tpu.vector_store %arg7[%swap3A_95], %broadcast_in_dim3A_3 {strides = array<i32>} : memref<256xf32, #tpu.memory_space<vmem>>, vector<16xf32>,
    %swap3A_97 = arith.constant 240 : index
    %swap3A_98 = tpu.vector_load %arg8[%swap3A_97] {strides = array<i32>} : memref<256xf32, #tpu.memory_space<vmem>>, vector<16xf32>,
    tpu.vector_store %arg8[%swap3A_97], %broadcast_in_dim3A_3 {strides = array<i32>} : memref<256xf32, #tpu.memory_space<vmem>>, vector<16xf32>,
    %iota3A = tpu.iota {dimensions = array<i32: 0>} : vector<16xi32>
    %broadcast_in_dim3A_99 = arith.constant 1.000000e+00 : f32
    %broadcast_in_dim3A_100 = vector.broadcast %broadcast_in_dim3A_99 : f32 to vector<16xf32>
    %broadcast_in_dim3A_101 = arith.constant 0.000000e+00 : f32
    %broadcast_in_dim3A_102 = vector.broadcast %broadcast_in_dim3A_101 : f32 to vector<16xf32>
    %broadcast_in_dim3A_103 = arith.constant 1.000000e+01 : f32
    %broadcast_in_dim3A_104 = vector.broadcast %broadcast_in_dim3A_103 : f32 to vector<16xf32>
    %broadcast_in_dim3A_105 = arith.constant 1 : i32
    %broadcast_in_dim3A_106 = vector.broadcast %broadcast_in_dim3A_105 : i32 to vector<16xi32>
    %broadcast_in_dim3A_107 = arith.constant 0 : i32
    %broadcast_in_dim3A_108 = vector.broadcast %broadcast_in_dim3A_107 : i32 to vector<16xi32>
    %scan3A = arith.constant 0 : i32
    %scan3A_109 = arith.constant 0 : i32
    %scan3A_110 = arith.constant 980 : i32
    %scan3A_111 = arith.addi %scan3A_109, %scan3A_110 : i32
    %scan3A_112 = arith.constant 1 : i32
    scf.for %scan3A_266 = %scan3A_109 to %scan3A_111 step %scan3A_112  : i32 {
      %mul3A_267 = arith.constant 16 : i32
      %mul3A_268 = arith.muli %scan3A_266, %mul3A_267 : i32
      %get3A_269 = arith.index_cast %mul3A_268 : i32 to index
      %get3A_270 = tpu.vector_load %arg4[%get3A_269] {strides = array<i32>} : memref<15680xf32, #tpu.memory_space<vmem>>, vector<16xf32>,
      %gt3A = arith.cmpf ogt, %get3A_270, %broadcast_in_dim3A_102 : vector<16xf32>
      %select_n3A = arith.select %gt3A, %broadcast_in_dim3A_100, %broadcast_in_dim3A_102 : vector<16xi1>, vector<16xf32>
      %abs3A = math.absf %get3A_270 : vector<16xf32>
      %mul3A_271 = arith.mulf %abs3A, %broadcast_in_dim3A_104 : vector<16xf32>
      %convert_element_type3A = arith.fptosi %mul3A_271 : vector<16xf32> to vector<16xi32>
      %convert_element_type3A_272 = arith.sitofp %convert_element_type3A : vector<16xi32> to vector<16xf32>
      %eq3A = arith.cmpf oeq, %convert_element_type3A_272, %mul3A_271 : vector<16xf32>
      %select_n3A_273 = arith.select %eq3A, %broadcast_in_dim3A_106, %broadcast_in_dim3A_108 : vector<16xi1>, vector<16xi32>
      %sub3A = arith.subi %convert_element_type3A, %select_n3A_273 : vector<16xi32>
      %max3A = arith.maxsi %sub3A, %broadcast_in_dim3A_108 : vector<16xi32>
      %gt3A_274 = arith.cmpf ogt, %mul3A_271, %broadcast_in_dim3A_102 : vector<16xf32>
      %broadcast_in_dim3A_275 = arith.constant 15 : i32
      %broadcast_in_dim3A_276 = vector.broadcast %broadcast_in_dim3A_275 : i32 to vector<16xi32>
      %select_n3A_277 = arith.select %gt3A_274, %max3A, %broadcast_in_dim3A_276 : vector<16xi1>, vector<16xi32>
      %mul3A_278 = arith.constant 16 : i32
      %mul3A_279 = vector.broadcast %mul3A_278 : i32 to vector<16xi32>
      %mul3A_280 = arith.muli %iota3A, %mul3A_279 : vector<16xi32>
      %add3A_281 = arith.addi %mul3A_280, %select_n3A_277 : vector<16xi32>
      tpu.vector_store_idx %arg6[%add3A_281], %broadcast_in_dim3A_100 {add = true} : memref<256xf32, #tpu.memory_space<vmem>>[vector<16xi32>], vector<16xf32>,
      tpu.vector_store_idx %arg7[%add3A_281], %abs3A {add = true} : memref<256xf32, #tpu.memory_space<vmem>>[vector<16xi32>], vector<16xf32>,
      tpu.vector_store_idx %arg8[%add3A_281], %select_n3A {add = true} : memref<256xf32, #tpu.memory_space<vmem>>[vector<16xi32>], vector<16xf32>,
    }
    %scan3A_113 = arith.constant 980 : i32
    %get3A = arith.constant 0 : index
    %get3A_114 = tpu.vector_load %arg6[%get3A] {strides = array<i32>} : memref<256xf32, #tpu.memory_space<vmem>>, vector<16xf32>,
    %get3A_115 = arith.constant 0 : index
    %get3A_116 = tpu.vector_load %arg7[%get3A_115] {strides = array<i32>} : memref<256xf32, #tpu.memory_space<vmem>>, vector<16xf32>,
    %get3A_117 = arith.constant 0 : index
    %get3A_118 = tpu.vector_load %arg8[%get3A_117] {strides = array<i32>} : memref<256xf32, #tpu.memory_space<vmem>>, vector<16xf32>,
    %get3A_119 = arith.constant 16 : index
    %get3A_120 = tpu.vector_load %arg6[%get3A_119] {strides = array<i32>} : memref<256xf32, #tpu.memory_space<vmem>>, vector<16xf32>,
    %add3A_121 = arith.addf %get3A_114, %get3A_120 : vector<16xf32>
    %get3A_122 = arith.constant 16 : index
    %get3A_123 = tpu.vector_load %arg7[%get3A_122] {strides = array<i32>} : memref<256xf32, #tpu.memory_space<vmem>>, vector<16xf32>,
    %add3A_124 = arith.addf %get3A_116, %get3A_123 : vector<16xf32>
    %get3A_125 = arith.constant 16 : index
    %get3A_126 = tpu.vector_load %arg8[%get3A_125] {strides = array<i32>} : memref<256xf32, #tpu.memory_space<vmem>>, vector<16xf32>,
    %add3A_127 = arith.addf %get3A_118, %get3A_126 : vector<16xf32>
    %get3A_128 = arith.constant 32 : index
    %get3A_129 = tpu.vector_load %arg6[%get3A_128] {strides = array<i32>} : memref<256xf32, #tpu.memory_space<vmem>>, vector<16xf32>,
    %add3A_130 = arith.addf %add3A_121, %get3A_129 : vector<16xf32>
    %get3A_131 = arith.constant 32 : index
    %get3A_132 = tpu.vector_load %arg7[%get3A_131] {strides = array<i32>} : memref<256xf32, #tpu.memory_space<vmem>>, vector<16xf32>,
    %add3A_133 = arith.addf %add3A_124, %get3A_132 : vector<16xf32>
    %get3A_134 = arith.constant 32 : index
    %get3A_135 = tpu.vector_load %arg8[%get3A_134] {strides = array<i32>} : memref<256xf32, #tpu.memory_space<vmem>>, vector<16xf32>,
    %add3A_136 = arith.addf %add3A_127, %get3A_135 : vector<16xf32>
    %get3A_137 = arith.constant 48 : index
    %get3A_138 = tpu.vector_load %arg6[%get3A_137] {strides = array<i32>} : memref<256xf32, #tpu.memory_space<vmem>>, vector<16xf32>,
    %add3A_139 = arith.addf %add3A_130, %get3A_138 : vector<16xf32>
    %get3A_140 = arith.constant 48 : index
    %get3A_141 = tpu.vector_load %arg7[%get3A_140] {strides = array<i32>} : memref<256xf32, #tpu.memory_space<vmem>>, vector<16xf32>,
    %add3A_142 = arith.addf %add3A_133, %get3A_141 : vector<16xf32>
    %get3A_143 = arith.constant 48 : index
    %get3A_144 = tpu.vector_load %arg8[%get3A_143] {strides = array<i32>} : memref<256xf32, #tpu.memory_space<vmem>>, vector<16xf32>,
    %add3A_145 = arith.addf %add3A_136, %get3A_144 : vector<16xf32>
    %get3A_146 = arith.constant 64 : index
    %get3A_147 = tpu.vector_load %arg6[%get3A_146] {strides = array<i32>} : memref<256xf32, #tpu.memory_space<vmem>>, vector<16xf32>,
    %add3A_148 = arith.addf %add3A_139, %get3A_147 : vector<16xf32>
    %get3A_149 = arith.constant 64 : index
    %get3A_150 = tpu.vector_load %arg7[%get3A_149] {strides = array<i32>} : memref<256xf32, #tpu.memory_space<vmem>>, vector<16xf32>,
    %add3A_151 = arith.addf %add3A_142, %get3A_150 : vector<16xf32>
    %get3A_152 = arith.constant 64 : index
    %get3A_153 = tpu.vector_load %arg8[%get3A_152] {strides = array<i32>} : memref<256xf32, #tpu.memory_space<vmem>>, vector<16xf32>,
    %add3A_154 = arith.addf %add3A_145, %get3A_153 : vector<16xf32>
    %get3A_155 = arith.constant 80 : index
    %get3A_156 = tpu.vector_load %arg6[%get3A_155] {strides = array<i32>} : memref<256xf32, #tpu.memory_space<vmem>>, vector<16xf32>,
    %add3A_157 = arith.addf %add3A_148, %get3A_156 : vector<16xf32>
    %get3A_158 = arith.constant 80 : index
    %get3A_159 = tpu.vector_load %arg7[%get3A_158] {strides = array<i32>} : memref<256xf32, #tpu.memory_space<vmem>>, vector<16xf32>,
    %add3A_160 = arith.addf %add3A_151, %get3A_159 : vector<16xf32>
    %get3A_161 = arith.constant 80 : index
    %get3A_162 = tpu.vector_load %arg8[%get3A_161] {strides = array<i32>} : memref<256xf32, #tpu.memory_space<vmem>>, vector<16xf32>,
    %add3A_163 = arith.addf %add3A_154, %get3A_162 : vector<16xf32>
    %get3A_164 = arith.constant 96 : index
    %get3A_165 = tpu.vector_load %arg6[%get3A_164] {strides = array<i32>} : memref<256xf32, #tpu.memory_space<vmem>>, vector<16xf32>,
    %add3A_166 = arith.addf %add3A_157, %get3A_165 : vector<16xf32>
    %get3A_167 = arith.constant 96 : index
    %get3A_168 = tpu.vector_load %arg7[%get3A_167] {strides = array<i32>} : memref<256xf32, #tpu.memory_space<vmem>>, vector<16xf32>,
    %add3A_169 = arith.addf %add3A_160, %get3A_168 : vector<16xf32>
    %get3A_170 = arith.constant 96 : index
    %get3A_171 = tpu.vector_load %arg8[%get3A_170] {strides = array<i32>} : memref<256xf32, #tpu.memory_space<vmem>>, vector<16xf32>,
    %add3A_172 = arith.addf %add3A_163, %get3A_171 : vector<16xf32>
    %get3A_173 = arith.constant 112 : index
    %get3A_174 = tpu.vector_load %arg6[%get3A_173] {strides = array<i32>} : memref<256xf32, #tpu.memory_space<vmem>>, vector<16xf32>,
    %add3A_175 = arith.addf %add3A_166, %get3A_174 : vector<16xf32>
    %get3A_176 = arith.constant 112 : index
    %get3A_177 = tpu.vector_load %arg7[%get3A_176] {strides = array<i32>} : memref<256xf32, #tpu.memory_space<vmem>>, vector<16xf32>,
    %add3A_178 = arith.addf %add3A_169, %get3A_177 : vector<16xf32>
    %get3A_179 = arith.constant 112 : index
    %get3A_180 = tpu.vector_load %arg8[%get3A_179] {strides = array<i32>} : memref<256xf32, #tpu.memory_space<vmem>>, vector<16xf32>,
    %add3A_181 = arith.addf %add3A_172, %get3A_180 : vector<16xf32>
    %get3A_182 = arith.constant 128 : index
    %get3A_183 = tpu.vector_load %arg6[%get3A_182] {strides = array<i32>} : memref<256xf32, #tpu.memory_space<vmem>>, vector<16xf32>,
    %add3A_184 = arith.addf %add3A_175, %get3A_183 : vector<16xf32>
    %get3A_185 = arith.constant 128 : index
    %get3A_186 = tpu.vector_load %arg7[%get3A_185] {strides = array<i32>} : memref<256xf32, #tpu.memory_space<vmem>>, vector<16xf32>,
    %add3A_187 = arith.addf %add3A_178, %get3A_186 : vector<16xf32>
    %get3A_188 = arith.constant 128 : index
    %get3A_189 = tpu.vector_load %arg8[%get3A_188] {strides = array<i32>} : memref<256xf32, #tpu.memory_space<vmem>>, vector<16xf32>,
    %add3A_190 = arith.addf %add3A_181, %get3A_189 : vector<16xf32>
    %get3A_191 = arith.constant 144 : index
    %get3A_192 = tpu.vector_load %arg6[%get3A_191] {strides = array<i32>} : memref<256xf32, #tpu.memory_space<vmem>>, vector<16xf32>,
    %add3A_193 = arith.addf %add3A_184, %get3A_192 : vector<16xf32>
    %get3A_194 = arith.constant 144 : index
    %get3A_195 = tpu.vector_load %arg7[%get3A_194] {strides = array<i32>} : memref<256xf32, #tpu.memory_space<vmem>>, vector<16xf32>,
    %add3A_196 = arith.addf %add3A_187, %get3A_195 : vector<16xf32>
    %get3A_197 = arith.constant 144 : index
    %get3A_198 = tpu.vector_load %arg8[%get3A_197] {strides = array<i32>} : memref<256xf32, #tpu.memory_space<vmem>>, vector<16xf32>,
    %add3A_199 = arith.addf %add3A_190, %get3A_198 : vector<16xf32>
    %get3A_200 = arith.constant 160 : index
    %get3A_201 = tpu.vector_load %arg6[%get3A_200] {strides = array<i32>} : memref<256xf32, #tpu.memory_space<vmem>>, vector<16xf32>,
    %add3A_202 = arith.addf %add3A_193, %get3A_201 : vector<16xf32>
    %get3A_203 = arith.constant 160 : index
    %get3A_204 = tpu.vector_load %arg7[%get3A_203] {strides = array<i32>} : memref<256xf32, #tpu.memory_space<vmem>>, vector<16xf32>,
    %add3A_205 = arith.addf %add3A_196, %get3A_204 : vector<16xf32>
    %get3A_206 = arith.constant 160 : index
    %get3A_207 = tpu.vector_load %arg8[%get3A_206] {strides = array<i32>} : memref<256xf32, #tpu.memory_space<vmem>>, vector<16xf32>,
    %add3A_208 = arith.addf %add3A_199, %get3A_207 : vector<16xf32>
    %get3A_209 = arith.constant 176 : index
    %get3A_210 = tpu.vector_load %arg6[%get3A_209] {strides = array<i32>} : memref<256xf32, #tpu.memory_space<vmem>>, vector<16xf32>,
    %add3A_211 = arith.addf %add3A_202, %get3A_210 : vector<16xf32>
    %get3A_212 = arith.constant 176 : index
    %get3A_213 = tpu.vector_load %arg7[%get3A_212] {strides = array<i32>} : memref<256xf32, #tpu.memory_space<vmem>>, vector<16xf32>,
    %add3A_214 = arith.addf %add3A_205, %get3A_213 : vector<16xf32>
    %get3A_215 = arith.constant 176 : index
    %get3A_216 = tpu.vector_load %arg8[%get3A_215] {strides = array<i32>} : memref<256xf32, #tpu.memory_space<vmem>>, vector<16xf32>,
    %add3A_217 = arith.addf %add3A_208, %get3A_216 : vector<16xf32>
    %get3A_218 = arith.constant 192 : index
    %get3A_219 = tpu.vector_load %arg6[%get3A_218] {strides = array<i32>} : memref<256xf32, #tpu.memory_space<vmem>>, vector<16xf32>,
    %add3A_220 = arith.addf %add3A_211, %get3A_219 : vector<16xf32>
    %get3A_221 = arith.constant 192 : index
    %get3A_222 = tpu.vector_load %arg7[%get3A_221] {strides = array<i32>} : memref<256xf32, #tpu.memory_space<vmem>>, vector<16xf32>,
    %add3A_223 = arith.addf %add3A_214, %get3A_222 : vector<16xf32>
    %get3A_224 = arith.constant 192 : index
    %get3A_225 = tpu.vector_load %arg8[%get3A_224] {strides = array<i32>} : memref<256xf32, #tpu.memory_space<vmem>>, vector<16xf32>,
    %add3A_226 = arith.addf %add3A_217, %get3A_225 : vector<16xf32>
    %get3A_227 = arith.constant 208 : index
    %get3A_228 = tpu.vector_load %arg6[%get3A_227] {strides = array<i32>} : memref<256xf32, #tpu.memory_space<vmem>>, vector<16xf32>,
    %add3A_229 = arith.addf %add3A_220, %get3A_228 : vector<16xf32>
    %get3A_230 = arith.constant 208 : index
    %get3A_231 = tpu.vector_load %arg7[%get3A_230] {strides = array<i32>} : memref<256xf32, #tpu.memory_space<vmem>>, vector<16xf32>,
    %add3A_232 = arith.addf %add3A_223, %get3A_231 : vector<16xf32>
    %get3A_233 = arith.constant 208 : index
    %get3A_234 = tpu.vector_load %arg8[%get3A_233] {strides = array<i32>} : memref<256xf32, #tpu.memory_space<vmem>>, vector<16xf32>,
    %add3A_235 = arith.addf %add3A_226, %get3A_234 : vector<16xf32>
    %get3A_236 = arith.constant 224 : index
    %get3A_237 = tpu.vector_load %arg6[%get3A_236] {strides = array<i32>} : memref<256xf32, #tpu.memory_space<vmem>>, vector<16xf32>,
    %add3A_238 = arith.addf %add3A_229, %get3A_237 : vector<16xf32>
    %get3A_239 = arith.constant 224 : index
    %get3A_240 = tpu.vector_load %arg7[%get3A_239] {strides = array<i32>} : memref<256xf32, #tpu.memory_space<vmem>>, vector<16xf32>,
    %add3A_241 = arith.addf %add3A_232, %get3A_240 : vector<16xf32>
    %get3A_242 = arith.constant 224 : index
    %get3A_243 = tpu.vector_load %arg8[%get3A_242] {strides = array<i32>} : memref<256xf32, #tpu.memory_space<vmem>>, vector<16xf32>,
    %add3A_244 = arith.addf %add3A_235, %get3A_243 : vector<16xf32>
    %get3A_245 = arith.constant 240 : index
    %get3A_246 = tpu.vector_load %arg6[%get3A_245] {strides = array<i32>} : memref<256xf32, #tpu.memory_space<vmem>>, vector<16xf32>,
    %add3A_247 = arith.addf %add3A_238, %get3A_246 : vector<16xf32>
    %get3A_248 = arith.constant 240 : index
    %get3A_249 = tpu.vector_load %arg7[%get3A_248] {strides = array<i32>} : memref<256xf32, #tpu.memory_space<vmem>>, vector<16xf32>,
    %add3A_250 = arith.addf %add3A_241, %get3A_249 : vector<16xf32>
    %get3A_251 = arith.constant 240 : index
    %get3A_252 = tpu.vector_load %arg8[%get3A_251] {strides = array<i32>} : memref<256xf32, #tpu.memory_space<vmem>>, vector<16xf32>,
    %add3A_253 = arith.addf %add3A_244, %get3A_252 : vector<16xf32>
    %swap3A_254 = arith.constant 0 : i32
    %swap3A_255 = arith.index_cast %swap3A_254 : i32 to index
    %swap3A_256 = arith.constant 0 : index
    %swap3A_257 = tpu.vector_load %arg5[%swap3A_255, %swap3A_256] {strides = array<i32>} : memref<3x16xf32, #tpu.memory_space<vmem>>, vector<16xf32>,
    tpu.vector_store %arg5[%swap3A_255, %swap3A_256], %add3A_247 {strides = array<i32>} : memref<3x16xf32, #tpu.memory_space<vmem>>, vector<16xf32>,
    %swap3A_258 = arith.constant 1 : i32
    %swap3A_259 = arith.index_cast %swap3A_258 : i32 to index
    %swap3A_260 = arith.constant 0 : index
    %swap3A_261 = tpu.vector_load %arg5[%swap3A_259, %swap3A_260] {strides = array<i32>} : memref<3x16xf32, #tpu.memory_space<vmem>>, vector<16xf32>,
    tpu.vector_store %arg5[%swap3A_259, %swap3A_260], %add3A_250 {strides = array<i32>} : memref<3x16xf32, #tpu.memory_space<vmem>>, vector<16xf32>,
    %swap3A_262 = arith.constant 2 : i32
    %swap3A_263 = arith.index_cast %swap3A_262 : i32 to index
    %swap3A_264 = arith.constant 0 : index
    %swap3A_265 = tpu.vector_load %arg5[%swap3A_263, %swap3A_264] {strides = array<i32>} : memref<3x16xf32, #tpu.memory_space<vmem>>, vector<16xf32>,
    tpu.vector_store %arg5[%swap3A_263, %swap3A_264], %add3A_253 {strides = array<i32>} : memref<3x16xf32, #tpu.memory_space<vmem>>, vector<16xf32>,
    "tpu.region"() ({
      %run_scoped3A = tpu.sem_alloc : memref<!tpu.dma_semaphore, #tpu.memory_space<semaphore_mem>>
      %dma_start3A = arith.constant 0 : i32
      %dma_start3A_266 = arith.constant 0 : i32
      %dma_start3A_267 = tpu.memref_slice %arg3[%add3A, %dma_start3A, %dma_start3A_266] : memref<32x3x16xf32, #tpu.memory_space<hbm>> -> memref<1x3x16xf32, #tpu.memory_space<hbm>>
      %dma_start3A_268 = tpu.memref_squeeze %dma_start3A_267 : memref<1x3x16xf32, #tpu.memory_space<hbm>> -> memref<3x16xf32, #tpu.memory_space<hbm>>
      %dma_start3A_269 = arith.constant 0 : i32
      %dma_start3A_270 = arith.constant 0 : i32
      %dma_start3A_271 = tpu.memref_slice %arg3[%add3A, %dma_start3A_269, %dma_start3A_270] : memref<32x3x16xf32, #tpu.memory_space<hbm>> -> memref<1x3x16xf32, #tpu.memory_space<hbm>>
      %dma_start3A_272 = tpu.memref_squeeze %dma_start3A_271 : memref<1x3x16xf32, #tpu.memory_space<hbm>> -> memref<3x16xf32, #tpu.memory_space<hbm>>
      tpu.enqueue_dma source(%arg5 : memref<3x16xf32, #tpu.memory_space<vmem>>) target(%dma_start3A_272 : memref<3x16xf32, #tpu.memory_space<hbm>>) target_semaphore(%run_scoped3A : memref<!tpu.dma_semaphore, #tpu.memory_space<semaphore_mem>>)
      %dma_wait3A = arith.constant 0 : i32
      %dma_wait3A_273 = arith.constant 0 : i32
      %dma_wait3A_274 = tpu.memref_slice %arg3[%add3A, %dma_wait3A, %dma_wait3A_273] : memref<32x3x16xf32, #tpu.memory_space<hbm>> -> memref<1x3x16xf32, #tpu.memory_space<hbm>>
      %dma_wait3A_275 = tpu.memref_squeeze %dma_wait3A_274 : memref<1x3x16xf32, #tpu.memory_space<hbm>> -> memref<3x16xf32, #tpu.memory_space<hbm>>
      %dma_wait3A_276 = arith.constant 0 : i32
      %dma_wait3A_277 = arith.constant 0 : i32
      %dma_wait3A_278 = tpu.memref_slice %arg3[%add3A, %dma_wait3A_276, %dma_wait3A_277] : memref<32x3x16xf32, #tpu.memory_space<hbm>> -> memref<1x3x16xf32, #tpu.memory_space<hbm>>
      %dma_wait3A_279 = tpu.memref_squeeze %dma_wait3A_278 : memref<1x3x16xf32, #tpu.memory_space<hbm>> -> memref<3x16xf32, #tpu.memory_space<hbm>>
      tpu.wait_dma2 semaphore(%run_scoped3A : memref<!tpu.dma_semaphore, #tpu.memory_space<semaphore_mem>>) src(%arg5 : memref<3x16xf32, #tpu.memory_space<vmem>>) dst(%dma_wait3A_279 : memref<3x16xf32, #tpu.memory_space<hbm>>)
      tpu.yield
    }) : () -> ()
    return
  }
}

#map = affine_map<(d0, d1) -> (0)>
#map1 = affine_map<(d0, d1) -> (0, 0, 0)>
module attributes {stable_mosaic.version = 14 : i64} {
  func.func @_sc_hist(%arg0: i32, %arg1: i32, %arg2: memref<499712xf32, #tpu.memory_space<hbm>>, %arg3: memref<32x3x16xf32, #tpu.memory_space<hbm>>, %arg4: memref<15616xf32, #tpu.memory_space<vmem>>, %arg5: memref<3x16xf32, #tpu.memory_space<vmem>>, %arg6: memref<256xf32, #tpu.memory_space<vmem>>, %arg7: memref<256xf32, #tpu.memory_space<vmem>>, %arg8: memref<256xf32, #tpu.memory_space<vmem>>) attributes {dimension_semantics = [#tpu.dimension_semantics<core_parallel>, #tpu.dimension_semantics<subcore_parallel>], iteration_bounds = array<i64: 2, 16>, scalar_prefetch = 0 : i64, scratch_operands = 5 : i64, tpu.core_type = #tpu.core_type<sc_vector_subcore>, window_params = [{transform_indices = #map}, {transform_indices = #map1}]} {
    %mul3A = arith.constant 2 : i32
    %mul3A_0 = arith.muli %arg1, %mul3A : i32
    %add3A = arith.addi %mul3A_0, %arg0 : i32
    %mul3A_1 = arith.constant 15616 : i32
    %mul3A_2 = arith.muli %add3A, %mul3A_1 : i32
    "tpu.region"() ({
      %run_scoped3A = tpu.sem_alloc : memref<!tpu.dma_semaphore, #tpu.memory_space<semaphore_mem>>
      %dma_start3A = tpu.memref_slice %arg2[%mul3A_2] : memref<499712xf32, #tpu.memory_space<hbm>> -> memref<15616xf32, #tpu.memory_space<hbm>>
      %dma_start3A_266 = tpu.memref_slice %arg2[%mul3A_2] : memref<499712xf32, #tpu.memory_space<hbm>> -> memref<15616xf32, #tpu.memory_space<hbm>>
      tpu.enqueue_dma source(%dma_start3A_266 : memref<15616xf32, #tpu.memory_space<hbm>>) target(%arg4 : memref<15616xf32, #tpu.memory_space<vmem>>) target_semaphore(%run_scoped3A : memref<!tpu.dma_semaphore, #tpu.memory_space<semaphore_mem>>)
      %dma_wait3A = tpu.memref_slice %arg2[%mul3A_2] : memref<499712xf32, #tpu.memory_space<hbm>> -> memref<15616xf32, #tpu.memory_space<hbm>>
      %dma_wait3A_267 = tpu.memref_slice %arg2[%mul3A_2] : memref<499712xf32, #tpu.memory_space<hbm>> -> memref<15616xf32, #tpu.memory_space<hbm>>
      tpu.wait_dma2 semaphore(%run_scoped3A : memref<!tpu.dma_semaphore, #tpu.memory_space<semaphore_mem>>) src(%dma_wait3A_267 : memref<15616xf32, #tpu.memory_space<hbm>>) dst(%arg4 : memref<15616xf32, #tpu.memory_space<vmem>>)
      tpu.yield
    }) : () -> ()
    %broadcast_in_dim3A = arith.constant 0.000000e+00 : f32
    %broadcast_in_dim3A_3 = vector.broadcast %broadcast_in_dim3A : f32 to vector<16xf32>
    %swap3A = arith.constant 0 : index
    %swap3A_4 = tpu.vector_load %arg6[%swap3A] {strides = array<i32>} : memref<256xf32, #tpu.memory_space<vmem>>, vector<16xf32>,
    tpu.vector_store %arg6[%swap3A], %broadcast_in_dim3A_3 {strides = array<i32>} : memref<256xf32, #tpu.memory_space<vmem>>, vector<16xf32>,
    %swap3A_5 = arith.constant 0 : index
    %swap3A_6 = tpu.vector_load %arg7[%swap3A_5] {strides = array<i32>} : memref<256xf32, #tpu.memory_space<vmem>>, vector<16xf32>,
    tpu.vector_store %arg7[%swap3A_5], %broadcast_in_dim3A_3 {strides = array<i32>} : memref<256xf32, #tpu.memory_space<vmem>>, vector<16xf32>,
    %swap3A_7 = arith.constant 0 : index
    %swap3A_8 = tpu.vector_load %arg8[%swap3A_7] {strides = array<i32>} : memref<256xf32, #tpu.memory_space<vmem>>, vector<16xf32>,
    tpu.vector_store %arg8[%swap3A_7], %broadcast_in_dim3A_3 {strides = array<i32>} : memref<256xf32, #tpu.memory_space<vmem>>, vector<16xf32>,
    %swap3A_9 = arith.constant 16 : index
    %swap3A_10 = tpu.vector_load %arg6[%swap3A_9] {strides = array<i32>} : memref<256xf32, #tpu.memory_space<vmem>>, vector<16xf32>,
    tpu.vector_store %arg6[%swap3A_9], %broadcast_in_dim3A_3 {strides = array<i32>} : memref<256xf32, #tpu.memory_space<vmem>>, vector<16xf32>,
    %swap3A_11 = arith.constant 16 : index
    %swap3A_12 = tpu.vector_load %arg7[%swap3A_11] {strides = array<i32>} : memref<256xf32, #tpu.memory_space<vmem>>, vector<16xf32>,
    tpu.vector_store %arg7[%swap3A_11], %broadcast_in_dim3A_3 {strides = array<i32>} : memref<256xf32, #tpu.memory_space<vmem>>, vector<16xf32>,
    %swap3A_13 = arith.constant 16 : index
    %swap3A_14 = tpu.vector_load %arg8[%swap3A_13] {strides = array<i32>} : memref<256xf32, #tpu.memory_space<vmem>>, vector<16xf32>,
    tpu.vector_store %arg8[%swap3A_13], %broadcast_in_dim3A_3 {strides = array<i32>} : memref<256xf32, #tpu.memory_space<vmem>>, vector<16xf32>,
    %swap3A_15 = arith.constant 32 : index
    %swap3A_16 = tpu.vector_load %arg6[%swap3A_15] {strides = array<i32>} : memref<256xf32, #tpu.memory_space<vmem>>, vector<16xf32>,
    tpu.vector_store %arg6[%swap3A_15], %broadcast_in_dim3A_3 {strides = array<i32>} : memref<256xf32, #tpu.memory_space<vmem>>, vector<16xf32>,
    %swap3A_17 = arith.constant 32 : index
    %swap3A_18 = tpu.vector_load %arg7[%swap3A_17] {strides = array<i32>} : memref<256xf32, #tpu.memory_space<vmem>>, vector<16xf32>,
    tpu.vector_store %arg7[%swap3A_17], %broadcast_in_dim3A_3 {strides = array<i32>} : memref<256xf32, #tpu.memory_space<vmem>>, vector<16xf32>,
    %swap3A_19 = arith.constant 32 : index
    %swap3A_20 = tpu.vector_load %arg8[%swap3A_19] {strides = array<i32>} : memref<256xf32, #tpu.memory_space<vmem>>, vector<16xf32>,
    tpu.vector_store %arg8[%swap3A_19], %broadcast_in_dim3A_3 {strides = array<i32>} : memref<256xf32, #tpu.memory_space<vmem>>, vector<16xf32>,
    %swap3A_21 = arith.constant 48 : index
    %swap3A_22 = tpu.vector_load %arg6[%swap3A_21] {strides = array<i32>} : memref<256xf32, #tpu.memory_space<vmem>>, vector<16xf32>,
    tpu.vector_store %arg6[%swap3A_21], %broadcast_in_dim3A_3 {strides = array<i32>} : memref<256xf32, #tpu.memory_space<vmem>>, vector<16xf32>,
    %swap3A_23 = arith.constant 48 : index
    %swap3A_24 = tpu.vector_load %arg7[%swap3A_23] {strides = array<i32>} : memref<256xf32, #tpu.memory_space<vmem>>, vector<16xf32>,
    tpu.vector_store %arg7[%swap3A_23], %broadcast_in_dim3A_3 {strides = array<i32>} : memref<256xf32, #tpu.memory_space<vmem>>, vector<16xf32>,
    %swap3A_25 = arith.constant 48 : index
    %swap3A_26 = tpu.vector_load %arg8[%swap3A_25] {strides = array<i32>} : memref<256xf32, #tpu.memory_space<vmem>>, vector<16xf32>,
    tpu.vector_store %arg8[%swap3A_25], %broadcast_in_dim3A_3 {strides = array<i32>} : memref<256xf32, #tpu.memory_space<vmem>>, vector<16xf32>,
    %swap3A_27 = arith.constant 64 : index
    %swap3A_28 = tpu.vector_load %arg6[%swap3A_27] {strides = array<i32>} : memref<256xf32, #tpu.memory_space<vmem>>, vector<16xf32>,
    tpu.vector_store %arg6[%swap3A_27], %broadcast_in_dim3A_3 {strides = array<i32>} : memref<256xf32, #tpu.memory_space<vmem>>, vector<16xf32>,
    %swap3A_29 = arith.constant 64 : index
    %swap3A_30 = tpu.vector_load %arg7[%swap3A_29] {strides = array<i32>} : memref<256xf32, #tpu.memory_space<vmem>>, vector<16xf32>,
    tpu.vector_store %arg7[%swap3A_29], %broadcast_in_dim3A_3 {strides = array<i32>} : memref<256xf32, #tpu.memory_space<vmem>>, vector<16xf32>,
    %swap3A_31 = arith.constant 64 : index
    %swap3A_32 = tpu.vector_load %arg8[%swap3A_31] {strides = array<i32>} : memref<256xf32, #tpu.memory_space<vmem>>, vector<16xf32>,
    tpu.vector_store %arg8[%swap3A_31], %broadcast_in_dim3A_3 {strides = array<i32>} : memref<256xf32, #tpu.memory_space<vmem>>, vector<16xf32>,
    %swap3A_33 = arith.constant 80 : index
    %swap3A_34 = tpu.vector_load %arg6[%swap3A_33] {strides = array<i32>} : memref<256xf32, #tpu.memory_space<vmem>>, vector<16xf32>,
    tpu.vector_store %arg6[%swap3A_33], %broadcast_in_dim3A_3 {strides = array<i32>} : memref<256xf32, #tpu.memory_space<vmem>>, vector<16xf32>,
    %swap3A_35 = arith.constant 80 : index
    %swap3A_36 = tpu.vector_load %arg7[%swap3A_35] {strides = array<i32>} : memref<256xf32, #tpu.memory_space<vmem>>, vector<16xf32>,
    tpu.vector_store %arg7[%swap3A_35], %broadcast_in_dim3A_3 {strides = array<i32>} : memref<256xf32, #tpu.memory_space<vmem>>, vector<16xf32>,
    %swap3A_37 = arith.constant 80 : index
    %swap3A_38 = tpu.vector_load %arg8[%swap3A_37] {strides = array<i32>} : memref<256xf32, #tpu.memory_space<vmem>>, vector<16xf32>,
    tpu.vector_store %arg8[%swap3A_37], %broadcast_in_dim3A_3 {strides = array<i32>} : memref<256xf32, #tpu.memory_space<vmem>>, vector<16xf32>,
    %swap3A_39 = arith.constant 96 : index
    %swap3A_40 = tpu.vector_load %arg6[%swap3A_39] {strides = array<i32>} : memref<256xf32, #tpu.memory_space<vmem>>, vector<16xf32>,
    tpu.vector_store %arg6[%swap3A_39], %broadcast_in_dim3A_3 {strides = array<i32>} : memref<256xf32, #tpu.memory_space<vmem>>, vector<16xf32>,
    %swap3A_41 = arith.constant 96 : index
    %swap3A_42 = tpu.vector_load %arg7[%swap3A_41] {strides = array<i32>} : memref<256xf32, #tpu.memory_space<vmem>>, vector<16xf32>,
    tpu.vector_store %arg7[%swap3A_41], %broadcast_in_dim3A_3 {strides = array<i32>} : memref<256xf32, #tpu.memory_space<vmem>>, vector<16xf32>,
    %swap3A_43 = arith.constant 96 : index
    %swap3A_44 = tpu.vector_load %arg8[%swap3A_43] {strides = array<i32>} : memref<256xf32, #tpu.memory_space<vmem>>, vector<16xf32>,
    tpu.vector_store %arg8[%swap3A_43], %broadcast_in_dim3A_3 {strides = array<i32>} : memref<256xf32, #tpu.memory_space<vmem>>, vector<16xf32>,
    %swap3A_45 = arith.constant 112 : index
    %swap3A_46 = tpu.vector_load %arg6[%swap3A_45] {strides = array<i32>} : memref<256xf32, #tpu.memory_space<vmem>>, vector<16xf32>,
    tpu.vector_store %arg6[%swap3A_45], %broadcast_in_dim3A_3 {strides = array<i32>} : memref<256xf32, #tpu.memory_space<vmem>>, vector<16xf32>,
    %swap3A_47 = arith.constant 112 : index
    %swap3A_48 = tpu.vector_load %arg7[%swap3A_47] {strides = array<i32>} : memref<256xf32, #tpu.memory_space<vmem>>, vector<16xf32>,
    tpu.vector_store %arg7[%swap3A_47], %broadcast_in_dim3A_3 {strides = array<i32>} : memref<256xf32, #tpu.memory_space<vmem>>, vector<16xf32>,
    %swap3A_49 = arith.constant 112 : index
    %swap3A_50 = tpu.vector_load %arg8[%swap3A_49] {strides = array<i32>} : memref<256xf32, #tpu.memory_space<vmem>>, vector<16xf32>,
    tpu.vector_store %arg8[%swap3A_49], %broadcast_in_dim3A_3 {strides = array<i32>} : memref<256xf32, #tpu.memory_space<vmem>>, vector<16xf32>,
    %swap3A_51 = arith.constant 128 : index
    %swap3A_52 = tpu.vector_load %arg6[%swap3A_51] {strides = array<i32>} : memref<256xf32, #tpu.memory_space<vmem>>, vector<16xf32>,
    tpu.vector_store %arg6[%swap3A_51], %broadcast_in_dim3A_3 {strides = array<i32>} : memref<256xf32, #tpu.memory_space<vmem>>, vector<16xf32>,
    %swap3A_53 = arith.constant 128 : index
    %swap3A_54 = tpu.vector_load %arg7[%swap3A_53] {strides = array<i32>} : memref<256xf32, #tpu.memory_space<vmem>>, vector<16xf32>,
    tpu.vector_store %arg7[%swap3A_53], %broadcast_in_dim3A_3 {strides = array<i32>} : memref<256xf32, #tpu.memory_space<vmem>>, vector<16xf32>,
    %swap3A_55 = arith.constant 128 : index
    %swap3A_56 = tpu.vector_load %arg8[%swap3A_55] {strides = array<i32>} : memref<256xf32, #tpu.memory_space<vmem>>, vector<16xf32>,
    tpu.vector_store %arg8[%swap3A_55], %broadcast_in_dim3A_3 {strides = array<i32>} : memref<256xf32, #tpu.memory_space<vmem>>, vector<16xf32>,
    %swap3A_57 = arith.constant 144 : index
    %swap3A_58 = tpu.vector_load %arg6[%swap3A_57] {strides = array<i32>} : memref<256xf32, #tpu.memory_space<vmem>>, vector<16xf32>,
    tpu.vector_store %arg6[%swap3A_57], %broadcast_in_dim3A_3 {strides = array<i32>} : memref<256xf32, #tpu.memory_space<vmem>>, vector<16xf32>,
    %swap3A_59 = arith.constant 144 : index
    %swap3A_60 = tpu.vector_load %arg7[%swap3A_59] {strides = array<i32>} : memref<256xf32, #tpu.memory_space<vmem>>, vector<16xf32>,
    tpu.vector_store %arg7[%swap3A_59], %broadcast_in_dim3A_3 {strides = array<i32>} : memref<256xf32, #tpu.memory_space<vmem>>, vector<16xf32>,
    %swap3A_61 = arith.constant 144 : index
    %swap3A_62 = tpu.vector_load %arg8[%swap3A_61] {strides = array<i32>} : memref<256xf32, #tpu.memory_space<vmem>>, vector<16xf32>,
    tpu.vector_store %arg8[%swap3A_61], %broadcast_in_dim3A_3 {strides = array<i32>} : memref<256xf32, #tpu.memory_space<vmem>>, vector<16xf32>,
    %swap3A_63 = arith.constant 160 : index
    %swap3A_64 = tpu.vector_load %arg6[%swap3A_63] {strides = array<i32>} : memref<256xf32, #tpu.memory_space<vmem>>, vector<16xf32>,
    tpu.vector_store %arg6[%swap3A_63], %broadcast_in_dim3A_3 {strides = array<i32>} : memref<256xf32, #tpu.memory_space<vmem>>, vector<16xf32>,
    %swap3A_65 = arith.constant 160 : index
    %swap3A_66 = tpu.vector_load %arg7[%swap3A_65] {strides = array<i32>} : memref<256xf32, #tpu.memory_space<vmem>>, vector<16xf32>,
    tpu.vector_store %arg7[%swap3A_65], %broadcast_in_dim3A_3 {strides = array<i32>} : memref<256xf32, #tpu.memory_space<vmem>>, vector<16xf32>,
    %swap3A_67 = arith.constant 160 : index
    %swap3A_68 = tpu.vector_load %arg8[%swap3A_67] {strides = array<i32>} : memref<256xf32, #tpu.memory_space<vmem>>, vector<16xf32>,
    tpu.vector_store %arg8[%swap3A_67], %broadcast_in_dim3A_3 {strides = array<i32>} : memref<256xf32, #tpu.memory_space<vmem>>, vector<16xf32>,
    %swap3A_69 = arith.constant 176 : index
    %swap3A_70 = tpu.vector_load %arg6[%swap3A_69] {strides = array<i32>} : memref<256xf32, #tpu.memory_space<vmem>>, vector<16xf32>,
    tpu.vector_store %arg6[%swap3A_69], %broadcast_in_dim3A_3 {strides = array<i32>} : memref<256xf32, #tpu.memory_space<vmem>>, vector<16xf32>,
    %swap3A_71 = arith.constant 176 : index
    %swap3A_72 = tpu.vector_load %arg7[%swap3A_71] {strides = array<i32>} : memref<256xf32, #tpu.memory_space<vmem>>, vector<16xf32>,
    tpu.vector_store %arg7[%swap3A_71], %broadcast_in_dim3A_3 {strides = array<i32>} : memref<256xf32, #tpu.memory_space<vmem>>, vector<16xf32>,
    %swap3A_73 = arith.constant 176 : index
    %swap3A_74 = tpu.vector_load %arg8[%swap3A_73] {strides = array<i32>} : memref<256xf32, #tpu.memory_space<vmem>>, vector<16xf32>,
    tpu.vector_store %arg8[%swap3A_73], %broadcast_in_dim3A_3 {strides = array<i32>} : memref<256xf32, #tpu.memory_space<vmem>>, vector<16xf32>,
    %swap3A_75 = arith.constant 192 : index
    %swap3A_76 = tpu.vector_load %arg6[%swap3A_75] {strides = array<i32>} : memref<256xf32, #tpu.memory_space<vmem>>, vector<16xf32>,
    tpu.vector_store %arg6[%swap3A_75], %broadcast_in_dim3A_3 {strides = array<i32>} : memref<256xf32, #tpu.memory_space<vmem>>, vector<16xf32>,
    %swap3A_77 = arith.constant 192 : index
    %swap3A_78 = tpu.vector_load %arg7[%swap3A_77] {strides = array<i32>} : memref<256xf32, #tpu.memory_space<vmem>>, vector<16xf32>,
    tpu.vector_store %arg7[%swap3A_77], %broadcast_in_dim3A_3 {strides = array<i32>} : memref<256xf32, #tpu.memory_space<vmem>>, vector<16xf32>,
    %swap3A_79 = arith.constant 192 : index
    %swap3A_80 = tpu.vector_load %arg8[%swap3A_79] {strides = array<i32>} : memref<256xf32, #tpu.memory_space<vmem>>, vector<16xf32>,
    tpu.vector_store %arg8[%swap3A_79], %broadcast_in_dim3A_3 {strides = array<i32>} : memref<256xf32, #tpu.memory_space<vmem>>, vector<16xf32>,
    %swap3A_81 = arith.constant 208 : index
    %swap3A_82 = tpu.vector_load %arg6[%swap3A_81] {strides = array<i32>} : memref<256xf32, #tpu.memory_space<vmem>>, vector<16xf32>,
    tpu.vector_store %arg6[%swap3A_81], %broadcast_in_dim3A_3 {strides = array<i32>} : memref<256xf32, #tpu.memory_space<vmem>>, vector<16xf32>,
    %swap3A_83 = arith.constant 208 : index
    %swap3A_84 = tpu.vector_load %arg7[%swap3A_83] {strides = array<i32>} : memref<256xf32, #tpu.memory_space<vmem>>, vector<16xf32>,
    tpu.vector_store %arg7[%swap3A_83], %broadcast_in_dim3A_3 {strides = array<i32>} : memref<256xf32, #tpu.memory_space<vmem>>, vector<16xf32>,
    %swap3A_85 = arith.constant 208 : index
    %swap3A_86 = tpu.vector_load %arg8[%swap3A_85] {strides = array<i32>} : memref<256xf32, #tpu.memory_space<vmem>>, vector<16xf32>,
    tpu.vector_store %arg8[%swap3A_85], %broadcast_in_dim3A_3 {strides = array<i32>} : memref<256xf32, #tpu.memory_space<vmem>>, vector<16xf32>,
    %swap3A_87 = arith.constant 224 : index
    %swap3A_88 = tpu.vector_load %arg6[%swap3A_87] {strides = array<i32>} : memref<256xf32, #tpu.memory_space<vmem>>, vector<16xf32>,
    tpu.vector_store %arg6[%swap3A_87], %broadcast_in_dim3A_3 {strides = array<i32>} : memref<256xf32, #tpu.memory_space<vmem>>, vector<16xf32>,
    %swap3A_89 = arith.constant 224 : index
    %swap3A_90 = tpu.vector_load %arg7[%swap3A_89] {strides = array<i32>} : memref<256xf32, #tpu.memory_space<vmem>>, vector<16xf32>,
    tpu.vector_store %arg7[%swap3A_89], %broadcast_in_dim3A_3 {strides = array<i32>} : memref<256xf32, #tpu.memory_space<vmem>>, vector<16xf32>,
    %swap3A_91 = arith.constant 224 : index
    %swap3A_92 = tpu.vector_load %arg8[%swap3A_91] {strides = array<i32>} : memref<256xf32, #tpu.memory_space<vmem>>, vector<16xf32>,
    tpu.vector_store %arg8[%swap3A_91], %broadcast_in_dim3A_3 {strides = array<i32>} : memref<256xf32, #tpu.memory_space<vmem>>, vector<16xf32>,
    %swap3A_93 = arith.constant 240 : index
    %swap3A_94 = tpu.vector_load %arg6[%swap3A_93] {strides = array<i32>} : memref<256xf32, #tpu.memory_space<vmem>>, vector<16xf32>,
    tpu.vector_store %arg6[%swap3A_93], %broadcast_in_dim3A_3 {strides = array<i32>} : memref<256xf32, #tpu.memory_space<vmem>>, vector<16xf32>,
    %swap3A_95 = arith.constant 240 : index
    %swap3A_96 = tpu.vector_load %arg7[%swap3A_95] {strides = array<i32>} : memref<256xf32, #tpu.memory_space<vmem>>, vector<16xf32>,
    tpu.vector_store %arg7[%swap3A_95], %broadcast_in_dim3A_3 {strides = array<i32>} : memref<256xf32, #tpu.memory_space<vmem>>, vector<16xf32>,
    %swap3A_97 = arith.constant 240 : index
    %swap3A_98 = tpu.vector_load %arg8[%swap3A_97] {strides = array<i32>} : memref<256xf32, #tpu.memory_space<vmem>>, vector<16xf32>,
    tpu.vector_store %arg8[%swap3A_97], %broadcast_in_dim3A_3 {strides = array<i32>} : memref<256xf32, #tpu.memory_space<vmem>>, vector<16xf32>,
    %iota3A = tpu.iota {dimensions = array<i32: 0>} : vector<16xi32>
    %broadcast_in_dim3A_99 = arith.constant 1.000000e+00 : f32
    %broadcast_in_dim3A_100 = vector.broadcast %broadcast_in_dim3A_99 : f32 to vector<16xf32>
    %broadcast_in_dim3A_101 = arith.constant 0.000000e+00 : f32
    %broadcast_in_dim3A_102 = vector.broadcast %broadcast_in_dim3A_101 : f32 to vector<16xf32>
    %broadcast_in_dim3A_103 = arith.constant 1.000000e+01 : f32
    %broadcast_in_dim3A_104 = vector.broadcast %broadcast_in_dim3A_103 : f32 to vector<16xf32>
    %broadcast_in_dim3A_105 = arith.constant 1 : i32
    %broadcast_in_dim3A_106 = vector.broadcast %broadcast_in_dim3A_105 : i32 to vector<16xi32>
    %broadcast_in_dim3A_107 = arith.constant 0 : i32
    %broadcast_in_dim3A_108 = vector.broadcast %broadcast_in_dim3A_107 : i32 to vector<16xi32>
    %scan3A = arith.constant 0 : i32
    %scan3A_109 = arith.constant 0 : i32
    %scan3A_110 = arith.constant 976 : i32
    %scan3A_111 = arith.addi %scan3A_109, %scan3A_110 : i32
    %scan3A_112 = arith.constant 1 : i32
    scf.for %scan3A_266 = %scan3A_109 to %scan3A_111 step %scan3A_112  : i32 {
      %mul3A_267 = arith.constant 16 : i32
      %mul3A_268 = arith.muli %scan3A_266, %mul3A_267 : i32
      %get3A_269 = arith.index_cast %mul3A_268 : i32 to index
      %get3A_270 = tpu.vector_load %arg4[%get3A_269] {strides = array<i32>} : memref<15616xf32, #tpu.memory_space<vmem>>, vector<16xf32>,
      %gt3A = arith.cmpf ogt, %get3A_270, %broadcast_in_dim3A_102 : vector<16xf32>
      %select_n3A = arith.select %gt3A, %broadcast_in_dim3A_100, %broadcast_in_dim3A_102 : vector<16xi1>, vector<16xf32>
      %abs3A = math.absf %get3A_270 : vector<16xf32>
      %mul3A_271 = arith.mulf %abs3A, %broadcast_in_dim3A_104 : vector<16xf32>
      %convert_element_type3A = arith.fptosi %mul3A_271 : vector<16xf32> to vector<16xi32>
      %convert_element_type3A_272 = arith.sitofp %convert_element_type3A : vector<16xi32> to vector<16xf32>
      %eq3A = arith.cmpf oeq, %convert_element_type3A_272, %mul3A_271 : vector<16xf32>
      %select_n3A_273 = arith.select %eq3A, %broadcast_in_dim3A_106, %broadcast_in_dim3A_108 : vector<16xi1>, vector<16xi32>
      %sub3A = arith.subi %convert_element_type3A, %select_n3A_273 : vector<16xi32>
      %max3A = arith.maxsi %sub3A, %broadcast_in_dim3A_108 : vector<16xi32>
      %gt3A_274 = arith.cmpf ogt, %mul3A_271, %broadcast_in_dim3A_102 : vector<16xf32>
      %broadcast_in_dim3A_275 = arith.constant 15 : i32
      %broadcast_in_dim3A_276 = vector.broadcast %broadcast_in_dim3A_275 : i32 to vector<16xi32>
      %select_n3A_277 = arith.select %gt3A_274, %max3A, %broadcast_in_dim3A_276 : vector<16xi1>, vector<16xi32>
      %mul3A_278 = arith.constant 16 : i32
      %mul3A_279 = vector.broadcast %mul3A_278 : i32 to vector<16xi32>
      %mul3A_280 = arith.muli %iota3A, %mul3A_279 : vector<16xi32>
      %add3A_281 = arith.addi %mul3A_280, %select_n3A_277 : vector<16xi32>
      tpu.vector_store_idx %arg6[%add3A_281], %broadcast_in_dim3A_100 {add = true} : memref<256xf32, #tpu.memory_space<vmem>>[vector<16xi32>], vector<16xf32>,
      tpu.vector_store_idx %arg7[%add3A_281], %abs3A {add = true} : memref<256xf32, #tpu.memory_space<vmem>>[vector<16xi32>], vector<16xf32>,
      tpu.vector_store_idx %arg8[%add3A_281], %select_n3A {add = true} : memref<256xf32, #tpu.memory_space<vmem>>[vector<16xi32>], vector<16xf32>,
    }
    %scan3A_113 = arith.constant 976 : i32
    %get3A = arith.constant 0 : index
    %get3A_114 = tpu.vector_load %arg6[%get3A] {strides = array<i32>} : memref<256xf32, #tpu.memory_space<vmem>>, vector<16xf32>,
    %get3A_115 = arith.constant 0 : index
    %get3A_116 = tpu.vector_load %arg7[%get3A_115] {strides = array<i32>} : memref<256xf32, #tpu.memory_space<vmem>>, vector<16xf32>,
    %get3A_117 = arith.constant 0 : index
    %get3A_118 = tpu.vector_load %arg8[%get3A_117] {strides = array<i32>} : memref<256xf32, #tpu.memory_space<vmem>>, vector<16xf32>,
    %get3A_119 = arith.constant 16 : index
    %get3A_120 = tpu.vector_load %arg6[%get3A_119] {strides = array<i32>} : memref<256xf32, #tpu.memory_space<vmem>>, vector<16xf32>,
    %add3A_121 = arith.addf %get3A_114, %get3A_120 : vector<16xf32>
    %get3A_122 = arith.constant 16 : index
    %get3A_123 = tpu.vector_load %arg7[%get3A_122] {strides = array<i32>} : memref<256xf32, #tpu.memory_space<vmem>>, vector<16xf32>,
    %add3A_124 = arith.addf %get3A_116, %get3A_123 : vector<16xf32>
    %get3A_125 = arith.constant 16 : index
    %get3A_126 = tpu.vector_load %arg8[%get3A_125] {strides = array<i32>} : memref<256xf32, #tpu.memory_space<vmem>>, vector<16xf32>,
    %add3A_127 = arith.addf %get3A_118, %get3A_126 : vector<16xf32>
    %get3A_128 = arith.constant 32 : index
    %get3A_129 = tpu.vector_load %arg6[%get3A_128] {strides = array<i32>} : memref<256xf32, #tpu.memory_space<vmem>>, vector<16xf32>,
    %add3A_130 = arith.addf %add3A_121, %get3A_129 : vector<16xf32>
    %get3A_131 = arith.constant 32 : index
    %get3A_132 = tpu.vector_load %arg7[%get3A_131] {strides = array<i32>} : memref<256xf32, #tpu.memory_space<vmem>>, vector<16xf32>,
    %add3A_133 = arith.addf %add3A_124, %get3A_132 : vector<16xf32>
    %get3A_134 = arith.constant 32 : index
    %get3A_135 = tpu.vector_load %arg8[%get3A_134] {strides = array<i32>} : memref<256xf32, #tpu.memory_space<vmem>>, vector<16xf32>,
    %add3A_136 = arith.addf %add3A_127, %get3A_135 : vector<16xf32>
    %get3A_137 = arith.constant 48 : index
    %get3A_138 = tpu.vector_load %arg6[%get3A_137] {strides = array<i32>} : memref<256xf32, #tpu.memory_space<vmem>>, vector<16xf32>,
    %add3A_139 = arith.addf %add3A_130, %get3A_138 : vector<16xf32>
    %get3A_140 = arith.constant 48 : index
    %get3A_141 = tpu.vector_load %arg7[%get3A_140] {strides = array<i32>} : memref<256xf32, #tpu.memory_space<vmem>>, vector<16xf32>,
    %add3A_142 = arith.addf %add3A_133, %get3A_141 : vector<16xf32>
    %get3A_143 = arith.constant 48 : index
    %get3A_144 = tpu.vector_load %arg8[%get3A_143] {strides = array<i32>} : memref<256xf32, #tpu.memory_space<vmem>>, vector<16xf32>,
    %add3A_145 = arith.addf %add3A_136, %get3A_144 : vector<16xf32>
    %get3A_146 = arith.constant 64 : index
    %get3A_147 = tpu.vector_load %arg6[%get3A_146] {strides = array<i32>} : memref<256xf32, #tpu.memory_space<vmem>>, vector<16xf32>,
    %add3A_148 = arith.addf %add3A_139, %get3A_147 : vector<16xf32>
    %get3A_149 = arith.constant 64 : index
    %get3A_150 = tpu.vector_load %arg7[%get3A_149] {strides = array<i32>} : memref<256xf32, #tpu.memory_space<vmem>>, vector<16xf32>,
    %add3A_151 = arith.addf %add3A_142, %get3A_150 : vector<16xf32>
    %get3A_152 = arith.constant 64 : index
    %get3A_153 = tpu.vector_load %arg8[%get3A_152] {strides = array<i32>} : memref<256xf32, #tpu.memory_space<vmem>>, vector<16xf32>,
    %add3A_154 = arith.addf %add3A_145, %get3A_153 : vector<16xf32>
    %get3A_155 = arith.constant 80 : index
    %get3A_156 = tpu.vector_load %arg6[%get3A_155] {strides = array<i32>} : memref<256xf32, #tpu.memory_space<vmem>>, vector<16xf32>,
    %add3A_157 = arith.addf %add3A_148, %get3A_156 : vector<16xf32>
    %get3A_158 = arith.constant 80 : index
    %get3A_159 = tpu.vector_load %arg7[%get3A_158] {strides = array<i32>} : memref<256xf32, #tpu.memory_space<vmem>>, vector<16xf32>,
    %add3A_160 = arith.addf %add3A_151, %get3A_159 : vector<16xf32>
    %get3A_161 = arith.constant 80 : index
    %get3A_162 = tpu.vector_load %arg8[%get3A_161] {strides = array<i32>} : memref<256xf32, #tpu.memory_space<vmem>>, vector<16xf32>,
    %add3A_163 = arith.addf %add3A_154, %get3A_162 : vector<16xf32>
    %get3A_164 = arith.constant 96 : index
    %get3A_165 = tpu.vector_load %arg6[%get3A_164] {strides = array<i32>} : memref<256xf32, #tpu.memory_space<vmem>>, vector<16xf32>,
    %add3A_166 = arith.addf %add3A_157, %get3A_165 : vector<16xf32>
    %get3A_167 = arith.constant 96 : index
    %get3A_168 = tpu.vector_load %arg7[%get3A_167] {strides = array<i32>} : memref<256xf32, #tpu.memory_space<vmem>>, vector<16xf32>,
    %add3A_169 = arith.addf %add3A_160, %get3A_168 : vector<16xf32>
    %get3A_170 = arith.constant 96 : index
    %get3A_171 = tpu.vector_load %arg8[%get3A_170] {strides = array<i32>} : memref<256xf32, #tpu.memory_space<vmem>>, vector<16xf32>,
    %add3A_172 = arith.addf %add3A_163, %get3A_171 : vector<16xf32>
    %get3A_173 = arith.constant 112 : index
    %get3A_174 = tpu.vector_load %arg6[%get3A_173] {strides = array<i32>} : memref<256xf32, #tpu.memory_space<vmem>>, vector<16xf32>,
    %add3A_175 = arith.addf %add3A_166, %get3A_174 : vector<16xf32>
    %get3A_176 = arith.constant 112 : index
    %get3A_177 = tpu.vector_load %arg7[%get3A_176] {strides = array<i32>} : memref<256xf32, #tpu.memory_space<vmem>>, vector<16xf32>,
    %add3A_178 = arith.addf %add3A_169, %get3A_177 : vector<16xf32>
    %get3A_179 = arith.constant 112 : index
    %get3A_180 = tpu.vector_load %arg8[%get3A_179] {strides = array<i32>} : memref<256xf32, #tpu.memory_space<vmem>>, vector<16xf32>,
    %add3A_181 = arith.addf %add3A_172, %get3A_180 : vector<16xf32>
    %get3A_182 = arith.constant 128 : index
    %get3A_183 = tpu.vector_load %arg6[%get3A_182] {strides = array<i32>} : memref<256xf32, #tpu.memory_space<vmem>>, vector<16xf32>,
    %add3A_184 = arith.addf %add3A_175, %get3A_183 : vector<16xf32>
    %get3A_185 = arith.constant 128 : index
    %get3A_186 = tpu.vector_load %arg7[%get3A_185] {strides = array<i32>} : memref<256xf32, #tpu.memory_space<vmem>>, vector<16xf32>,
    %add3A_187 = arith.addf %add3A_178, %get3A_186 : vector<16xf32>
    %get3A_188 = arith.constant 128 : index
    %get3A_189 = tpu.vector_load %arg8[%get3A_188] {strides = array<i32>} : memref<256xf32, #tpu.memory_space<vmem>>, vector<16xf32>,
    %add3A_190 = arith.addf %add3A_181, %get3A_189 : vector<16xf32>
    %get3A_191 = arith.constant 144 : index
    %get3A_192 = tpu.vector_load %arg6[%get3A_191] {strides = array<i32>} : memref<256xf32, #tpu.memory_space<vmem>>, vector<16xf32>,
    %add3A_193 = arith.addf %add3A_184, %get3A_192 : vector<16xf32>
    %get3A_194 = arith.constant 144 : index
    %get3A_195 = tpu.vector_load %arg7[%get3A_194] {strides = array<i32>} : memref<256xf32, #tpu.memory_space<vmem>>, vector<16xf32>,
    %add3A_196 = arith.addf %add3A_187, %get3A_195 : vector<16xf32>
    %get3A_197 = arith.constant 144 : index
    %get3A_198 = tpu.vector_load %arg8[%get3A_197] {strides = array<i32>} : memref<256xf32, #tpu.memory_space<vmem>>, vector<16xf32>,
    %add3A_199 = arith.addf %add3A_190, %get3A_198 : vector<16xf32>
    %get3A_200 = arith.constant 160 : index
    %get3A_201 = tpu.vector_load %arg6[%get3A_200] {strides = array<i32>} : memref<256xf32, #tpu.memory_space<vmem>>, vector<16xf32>,
    %add3A_202 = arith.addf %add3A_193, %get3A_201 : vector<16xf32>
    %get3A_203 = arith.constant 160 : index
    %get3A_204 = tpu.vector_load %arg7[%get3A_203] {strides = array<i32>} : memref<256xf32, #tpu.memory_space<vmem>>, vector<16xf32>,
    %add3A_205 = arith.addf %add3A_196, %get3A_204 : vector<16xf32>
    %get3A_206 = arith.constant 160 : index
    %get3A_207 = tpu.vector_load %arg8[%get3A_206] {strides = array<i32>} : memref<256xf32, #tpu.memory_space<vmem>>, vector<16xf32>,
    %add3A_208 = arith.addf %add3A_199, %get3A_207 : vector<16xf32>
    %get3A_209 = arith.constant 176 : index
    %get3A_210 = tpu.vector_load %arg6[%get3A_209] {strides = array<i32>} : memref<256xf32, #tpu.memory_space<vmem>>, vector<16xf32>,
    %add3A_211 = arith.addf %add3A_202, %get3A_210 : vector<16xf32>
    %get3A_212 = arith.constant 176 : index
    %get3A_213 = tpu.vector_load %arg7[%get3A_212] {strides = array<i32>} : memref<256xf32, #tpu.memory_space<vmem>>, vector<16xf32>,
    %add3A_214 = arith.addf %add3A_205, %get3A_213 : vector<16xf32>
    %get3A_215 = arith.constant 176 : index
    %get3A_216 = tpu.vector_load %arg8[%get3A_215] {strides = array<i32>} : memref<256xf32, #tpu.memory_space<vmem>>, vector<16xf32>,
    %add3A_217 = arith.addf %add3A_208, %get3A_216 : vector<16xf32>
    %get3A_218 = arith.constant 192 : index
    %get3A_219 = tpu.vector_load %arg6[%get3A_218] {strides = array<i32>} : memref<256xf32, #tpu.memory_space<vmem>>, vector<16xf32>,
    %add3A_220 = arith.addf %add3A_211, %get3A_219 : vector<16xf32>
    %get3A_221 = arith.constant 192 : index
    %get3A_222 = tpu.vector_load %arg7[%get3A_221] {strides = array<i32>} : memref<256xf32, #tpu.memory_space<vmem>>, vector<16xf32>,
    %add3A_223 = arith.addf %add3A_214, %get3A_222 : vector<16xf32>
    %get3A_224 = arith.constant 192 : index
    %get3A_225 = tpu.vector_load %arg8[%get3A_224] {strides = array<i32>} : memref<256xf32, #tpu.memory_space<vmem>>, vector<16xf32>,
    %add3A_226 = arith.addf %add3A_217, %get3A_225 : vector<16xf32>
    %get3A_227 = arith.constant 208 : index
    %get3A_228 = tpu.vector_load %arg6[%get3A_227] {strides = array<i32>} : memref<256xf32, #tpu.memory_space<vmem>>, vector<16xf32>,
    %add3A_229 = arith.addf %add3A_220, %get3A_228 : vector<16xf32>
    %get3A_230 = arith.constant 208 : index
    %get3A_231 = tpu.vector_load %arg7[%get3A_230] {strides = array<i32>} : memref<256xf32, #tpu.memory_space<vmem>>, vector<16xf32>,
    %add3A_232 = arith.addf %add3A_223, %get3A_231 : vector<16xf32>
    %get3A_233 = arith.constant 208 : index
    %get3A_234 = tpu.vector_load %arg8[%get3A_233] {strides = array<i32>} : memref<256xf32, #tpu.memory_space<vmem>>, vector<16xf32>,
    %add3A_235 = arith.addf %add3A_226, %get3A_234 : vector<16xf32>
    %get3A_236 = arith.constant 224 : index
    %get3A_237 = tpu.vector_load %arg6[%get3A_236] {strides = array<i32>} : memref<256xf32, #tpu.memory_space<vmem>>, vector<16xf32>,
    %add3A_238 = arith.addf %add3A_229, %get3A_237 : vector<16xf32>
    %get3A_239 = arith.constant 224 : index
    %get3A_240 = tpu.vector_load %arg7[%get3A_239] {strides = array<i32>} : memref<256xf32, #tpu.memory_space<vmem>>, vector<16xf32>,
    %add3A_241 = arith.addf %add3A_232, %get3A_240 : vector<16xf32>
    %get3A_242 = arith.constant 224 : index
    %get3A_243 = tpu.vector_load %arg8[%get3A_242] {strides = array<i32>} : memref<256xf32, #tpu.memory_space<vmem>>, vector<16xf32>,
    %add3A_244 = arith.addf %add3A_235, %get3A_243 : vector<16xf32>
    %get3A_245 = arith.constant 240 : index
    %get3A_246 = tpu.vector_load %arg6[%get3A_245] {strides = array<i32>} : memref<256xf32, #tpu.memory_space<vmem>>, vector<16xf32>,
    %add3A_247 = arith.addf %add3A_238, %get3A_246 : vector<16xf32>
    %get3A_248 = arith.constant 240 : index
    %get3A_249 = tpu.vector_load %arg7[%get3A_248] {strides = array<i32>} : memref<256xf32, #tpu.memory_space<vmem>>, vector<16xf32>,
    %add3A_250 = arith.addf %add3A_241, %get3A_249 : vector<16xf32>
    %get3A_251 = arith.constant 240 : index
    %get3A_252 = tpu.vector_load %arg8[%get3A_251] {strides = array<i32>} : memref<256xf32, #tpu.memory_space<vmem>>, vector<16xf32>,
    %add3A_253 = arith.addf %add3A_244, %get3A_252 : vector<16xf32>
    %swap3A_254 = arith.constant 0 : i32
    %swap3A_255 = arith.index_cast %swap3A_254 : i32 to index
    %swap3A_256 = arith.constant 0 : index
    %swap3A_257 = tpu.vector_load %arg5[%swap3A_255, %swap3A_256] {strides = array<i32>} : memref<3x16xf32, #tpu.memory_space<vmem>>, vector<16xf32>,
    tpu.vector_store %arg5[%swap3A_255, %swap3A_256], %add3A_247 {strides = array<i32>} : memref<3x16xf32, #tpu.memory_space<vmem>>, vector<16xf32>,
    %swap3A_258 = arith.constant 1 : i32
    %swap3A_259 = arith.index_cast %swap3A_258 : i32 to index
    %swap3A_260 = arith.constant 0 : index
    %swap3A_261 = tpu.vector_load %arg5[%swap3A_259, %swap3A_260] {strides = array<i32>} : memref<3x16xf32, #tpu.memory_space<vmem>>, vector<16xf32>,
    tpu.vector_store %arg5[%swap3A_259, %swap3A_260], %add3A_250 {strides = array<i32>} : memref<3x16xf32, #tpu.memory_space<vmem>>, vector<16xf32>,
    %swap3A_262 = arith.constant 2 : i32
    %swap3A_263 = arith.index_cast %swap3A_262 : i32 to index
    %swap3A_264 = arith.constant 0 : index
    %swap3A_265 = tpu.vector_load %arg5[%swap3A_263, %swap3A_264] {strides = array<i32>} : memref<3x16xf32, #tpu.memory_space<vmem>>, vector<16xf32>,
    tpu.vector_store %arg5[%swap3A_263, %swap3A_264], %add3A_253 {strides = array<i32>} : memref<3x16xf32, #tpu.memory_space<vmem>>, vector<16xf32>,
    "tpu.region"() ({
      %run_scoped3A = tpu.sem_alloc : memref<!tpu.dma_semaphore, #tpu.memory_space<semaphore_mem>>
      %dma_start3A = arith.constant 0 : i32
      %dma_start3A_266 = arith.constant 0 : i32
      %dma_start3A_267 = tpu.memref_slice %arg3[%add3A, %dma_start3A, %dma_start3A_266] : memref<32x3x16xf32, #tpu.memory_space<hbm>> -> memref<1x3x16xf32, #tpu.memory_space<hbm>>
      %dma_start3A_268 = tpu.memref_squeeze %dma_start3A_267 : memref<1x3x16xf32, #tpu.memory_space<hbm>> -> memref<3x16xf32, #tpu.memory_space<hbm>>
      %dma_start3A_269 = arith.constant 0 : i32
      %dma_start3A_270 = arith.constant 0 : i32
      %dma_start3A_271 = tpu.memref_slice %arg3[%add3A, %dma_start3A_269, %dma_start3A_270] : memref<32x3x16xf32, #tpu.memory_space<hbm>> -> memref<1x3x16xf32, #tpu.memory_space<hbm>>
      %dma_start3A_272 = tpu.memref_squeeze %dma_start3A_271 : memref<1x3x16xf32, #tpu.memory_space<hbm>> -> memref<3x16xf32, #tpu.memory_space<hbm>>
      tpu.enqueue_dma source(%arg5 : memref<3x16xf32, #tpu.memory_space<vmem>>) target(%dma_start3A_272 : memref<3x16xf32, #tpu.memory_space<hbm>>) target_semaphore(%run_scoped3A : memref<!tpu.dma_semaphore, #tpu.memory_space<semaphore_mem>>)
      %dma_wait3A = arith.constant 0 : i32
      %dma_wait3A_273 = arith.constant 0 : i32
      %dma_wait3A_274 = tpu.memref_slice %arg3[%add3A, %dma_wait3A, %dma_wait3A_273] : memref<32x3x16xf32, #tpu.memory_space<hbm>> -> memref<1x3x16xf32, #tpu.memory_space<hbm>>
      %dma_wait3A_275 = tpu.memref_squeeze %dma_wait3A_274 : memref<1x3x16xf32, #tpu.memory_space<hbm>> -> memref<3x16xf32, #tpu.memory_space<hbm>>
      %dma_wait3A_276 = arith.constant 0 : i32
      %dma_wait3A_277 = arith.constant 0 : i32
      %dma_wait3A_278 = tpu.memref_slice %arg3[%add3A, %dma_wait3A_276, %dma_wait3A_277] : memref<32x3x16xf32, #tpu.memory_space<hbm>> -> memref<1x3x16xf32, #tpu.memory_space<hbm>>
      %dma_wait3A_279 = tpu.memref_squeeze %dma_wait3A_278 : memref<1x3x16xf32, #tpu.memory_space<hbm>> -> memref<3x16xf32, #tpu.memory_space<hbm>>
      tpu.wait_dma2 semaphore(%run_scoped3A : memref<!tpu.dma_semaphore, #tpu.memory_space<semaphore_mem>>) src(%arg5 : memref<3x16xf32, #tpu.memory_space<vmem>>) dst(%dma_wait3A_279 : memref<3x16xf32, #tpu.memory_space<hbm>>)
      tpu.yield
    }) : () -> ()
    return
  }
}

module attributes {stable_mosaic.version = 14 : i64} {
  func.func @_tc_body(%arg0: i32, %arg1: memref<100x2048xf32, #tpu.memory_space<vmem>>, %arg2: memref<1x1x2048xi32, #tpu.memory_space<vmem>>, %arg3: memref<501760xf32, #tpu.memory_space<any>>, %arg4: memref<2x2048xf32, #tpu.memory_space<vmem>>, %arg5: memref<2x!tpu.dma_semaphore, #tpu.memory_space<semaphore_mem>>) attributes {dimension_semantics = [#tpu.dimension_semantics<arbitrary>], iteration_bounds = array<i64: 245>, scalar_prefetch = 0 : i64, scratch_operands = 2 : i64, tpu.core_type = #tpu.core_type<tc>, window_params = [{transform_indices = @transform_0, window_bounds = array<i64: 100, 2048>}, {transform_indices = @transform_1, window_bounds = array<i64: 1, 1, 2048>}, {}]} {
    %rem3A = arith.constant 2 : i32
    %rem3A_0 = arith.remsi %arg0, %rem3A : i32
    %get3A = arith.constant 0 : index
    %get3A_1 = arith.constant 0 : index
    %get3A_2 = vector.load %arg1[%get3A, %get3A_1] : memref<100x2048xf32, #tpu.memory_space<vmem>>, vector<100x2048xf32>
    %get3A_3 = arith.constant 0 : index
    %get3A_4 = arith.constant 0 : index
    %get3A_5 = arith.constant 0 : index
    %get3A_6 = vector.load %arg2[%get3A_3, %get3A_4, %get3A_5] : memref<1x1x2048xi32, #tpu.memory_space<vmem>>, vector<1x1x2048xi32>
    %get3A_7 = vector.shape_cast %get3A_6 : vector<1x1x2048xi32> to vector<2048xi32>
    %exp3A = math.exp %get3A_2 : vector<100x2048xf32>
    %reduce_sum3A = arith.constant dense<0.000000e+00> : vector<2048xf32>
    %reduce_sum3A_8 = vector.multi_reduction <add>, %exp3A, %reduce_sum3A [0] : vector<100x2048xf32> to vector<2048xf32>
    %reduce_max3A = arith.constant dense<0xFF800000> : vector<2048xf32>
    %reduce_max3A_9 = vector.multi_reduction <maximumf>, %exp3A, %reduce_max3A [0] : vector<100x2048xf32> to vector<2048xf32>
    %broadcast_in_dim3A = vector.shape_cast %reduce_max3A_9 : vector<2048xf32> to vector<1x2048xf32>
    %squeeze3A = vector.shape_cast %broadcast_in_dim3A : vector<1x2048xf32> to vector<2048xf32>
    %div3A = arith.divf %squeeze3A, %reduce_sum3A_8 : vector<2048xf32>
    %eq3A = vector.broadcast %broadcast_in_dim3A : vector<1x2048xf32> to vector<100x2048xf32>
    %eq3A_10 = arith.cmpf oeq, %exp3A, %eq3A : vector<100x2048xf32>
    %convert_element_type3A = arith.extui %eq3A_10 : vector<100x2048xi1> to vector<100x2048xi32>
    %convert_element_type3A_11 = arith.sitofp %convert_element_type3A : vector<100x2048xi32> to vector<100x2048xf32>
    %iota3A = tpu.iota {dimensions = array<i32: 1>} : vector<8x100xi32>
    %convert_element_type3A_12 = arith.sitofp %iota3A : vector<8x100xi32> to vector<8x100xf32>
    %dot_general3A = arith.constant dense<0.000000e+00> : vector<8x2048xf32>
    %dot_general3A_13 = tpu.matmul %convert_element_type3A_12, %convert_element_type3A_11, %dot_general3A {dimension_numbers = #tpu.dot_dimension_numbers<[1], [0], [0], [1], [0, 0, 1, 1], [], []>, transpose_lhs_hint = false} : vector<8x100xf32>, vector<100x2048xf32>, vector<8x2048xf32> -> vector<8x2048xf32>
    %slice3A = vector.extract_strided_slice %dot_general3A_13 {offsets = [0, 0], sizes = [1, 2048], strides = [1, 1]} : vector<8x2048xf32> to vector<1x2048xf32>
    %squeeze3A_14 = vector.shape_cast %slice3A : vector<1x2048xf32> to vector<2048xf32>
    %convert_element_type3A_15 = arith.sitofp %get3A_7 : vector<2048xi32> to vector<2048xf32>
    %eq3A_16 = arith.cmpf oeq, %squeeze3A_14, %convert_element_type3A_15 : vector<2048xf32>
    %neg3A = arith.constant 0.000000e+00 : f32
    %neg3A_17 = vector.broadcast %neg3A : f32 to vector<2048xf32>
    %neg3A_18 = arith.subf %neg3A_17, %div3A : vector<2048xf32>
    %select_n3A = arith.select %eq3A_16, %div3A, %neg3A_18 : vector<2048xi1>, vector<2048xf32>
    %add3A = arith.constant 0 : i32
    %add3A_19 = arith.addi %add3A, %arg0 : i32
    %mul3A = arith.constant 2048 : i32
    %mul3A_20 = arith.muli %add3A_19, %mul3A : i32
    %iota3A_21 = tpu.iota {dimensions = array<i32: 1>} : vector<1x2048xi32>
    %iota3A_22 = vector.shape_cast %iota3A_21 : vector<1x2048xi32> to vector<2048xi32>
    %add3A_23 = vector.broadcast %mul3A_20 : i32 to vector<2048xi32>
    %add3A_24 = arith.addi %add3A_23, %iota3A_22 : vector<2048xi32>
    %lt3A = arith.constant 1000000 : i32
    %lt3A_25 = vector.broadcast %lt3A : i32 to vector<2048xi32>
    %lt3A_26 = arith.cmpi slt, %add3A_24, %lt3A_25 : vector<2048xi32>
    %jit3A = arith.constant 0.000000e+00 : f32
    %broadcast_in_dim3A_27 = vector.broadcast %jit3A : f32 to vector<2048xf32>
    %select_n3A_28 = arith.select %lt3A_26, %select_n3A, %broadcast_in_dim3A_27 : vector<2048xi1>, vector<2048xf32>
    %ge3A = arith.constant 2 : i32
    %ge3A_29 = arith.cmpi sge, %arg0, %ge3A : i32
    %convert_element_type3A_30 = arith.extui %ge3A_29 : i1 to i32
    %cond3A = arith.constant 0 : i32
    %cond3A_31 = arith.cmpi ne, %convert_element_type3A_30, %cond3A : i32
    scf.if %cond3A_31 {
      %sub3A = arith.constant 2 : i32
      %sub3A_54 = arith.subi %arg0, %sub3A : i32
      %mul3A_55 = arith.constant 2048 : i32
      %mul3A_56 = arith.muli %sub3A_54, %mul3A_55 : i32
      %dma_wait3A = tpu.memref_slice %arg5[%rem3A_0] : memref<2x!tpu.dma_semaphore, #tpu.memory_space<semaphore_mem>> -> memref<1x!tpu.dma_semaphore, #tpu.memory_space<semaphore_mem>>
      %dma_wait3A_57 = tpu.memref_squeeze %dma_wait3A : memref<1x!tpu.dma_semaphore, #tpu.memory_space<semaphore_mem>> -> memref<!tpu.dma_semaphore, #tpu.memory_space<semaphore_mem>>
      %dma_wait3A_58 = tpu.memref_slice %arg3[%mul3A_56] : memref<501760xf32, #tpu.memory_space<any>> -> memref<2048xf32, #tpu.memory_space<any>>
      %dma_wait3A_59 = arith.constant 0 : i32
      %dma_wait3A_60 = tpu.memref_slice %arg4[%rem3A_0, %dma_wait3A_59] : memref<2x2048xf32, #tpu.memory_space<vmem>> -> memref<1x2048xf32, #tpu.memory_space<vmem>>
      %dma_wait3A_61 = tpu.memref_squeeze %dma_wait3A_60 : memref<1x2048xf32, #tpu.memory_space<vmem>> -> memref<2048xf32, #tpu.memory_space<vmem>>
      tpu.wait_dma2 semaphore(%dma_wait3A_57 : memref<!tpu.dma_semaphore, #tpu.memory_space<semaphore_mem>>) src(%dma_wait3A_61 : memref<2048xf32, #tpu.memory_space<vmem>>) dst(%dma_wait3A_58 : memref<2048xf32, #tpu.memory_space<any>>)
    } else {
    }
    %eq3A_32 = arith.constant 0 : i32
    %eq3A_33 = arith.cmpi eq, %rem3A_0, %eq3A_32 : i32
    %convert_element_type3A_34 = arith.extui %eq3A_33 : i1 to i32
    %cond3A_35 = arith.constant 0 : i32
    %cond3A_36 = arith.cmpi ne, %convert_element_type3A_34, %cond3A_35 : i32
    scf.if %cond3A_36 {
      %swap3A = arith.constant 0 : index
      %swap3A_54 = arith.constant 0 : index
      %swap3A_55 = vector.load %arg4[%swap3A, %swap3A_54] : memref<2x2048xf32, #tpu.memory_space<vmem>>, vector<1x2048xf32>
      %swap3A_56 = vector.shape_cast %swap3A_55 : vector<1x2048xf32> to vector<2048xf32>
      %swap3A_57 = vector.shape_cast %select_n3A_28 : vector<2048xf32> to vector<1x2048xf32>
      tpu.vector_store %arg4[%swap3A, %swap3A_54], %swap3A_57 {strides = array<i32>} : memref<2x2048xf32, #tpu.memory_space<vmem>>, vector<1x2048xf32>,
    } else {
    }
    %eq3A_37 = arith.constant 1 : i32
    %eq3A_38 = arith.cmpi eq, %rem3A_0, %eq3A_37 : i32
    %convert_element_type3A_39 = arith.extui %eq3A_38 : i1 to i32
    %cond3A_40 = arith.constant 0 : i32
    %cond3A_41 = arith.cmpi ne, %convert_element_type3A_39, %cond3A_40 : i32
    scf.if %cond3A_41 {
      %swap3A = arith.constant 1 : index
      %swap3A_54 = arith.constant 0 : index
      %swap3A_55 = vector.load %arg4[%swap3A, %swap3A_54] : memref<2x2048xf32, #tpu.memory_space<vmem>>, vector<1x2048xf32>
      %swap3A_56 = vector.shape_cast %swap3A_55 : vector<1x2048xf32> to vector<2048xf32>
      %swap3A_57 = vector.shape_cast %select_n3A_28 : vector<2048xf32> to vector<1x2048xf32>
      tpu.vector_store %arg4[%swap3A, %swap3A_54], %swap3A_57 {strides = array<i32>} : memref<2x2048xf32, #tpu.memory_space<vmem>>, vector<1x2048xf32>,
    } else {
    }
    %mul3A_42 = arith.constant 2048 : i32
    %mul3A_43 = arith.muli %arg0, %mul3A_42 : i32
    %dma_start3A = tpu.memref_slice %arg5[%rem3A_0] : memref<2x!tpu.dma_semaphore, #tpu.memory_space<semaphore_mem>> -> memref<1x!tpu.dma_semaphore, #tpu.memory_space<semaphore_mem>>
    %dma_start3A_44 = tpu.memref_squeeze %dma_start3A : memref<1x!tpu.dma_semaphore, #tpu.memory_space<semaphore_mem>> -> memref<!tpu.dma_semaphore, #tpu.memory_space<semaphore_mem>>
    %dma_start3A_45 = tpu.memref_slice %arg3[%mul3A_43] : memref<501760xf32, #tpu.memory_space<any>> -> memref<2048xf32, #tpu.memory_space<any>>
    %dma_start3A_46 = arith.constant 0 : i32
    %dma_start3A_47 = tpu.memref_slice %arg4[%rem3A_0, %dma_start3A_46] : memref<2x2048xf32, #tpu.memory_space<vmem>> -> memref<1x2048xf32, #tpu.memory_space<vmem>>
    %dma_start3A_48 = tpu.memref_squeeze %dma_start3A_47 : memref<1x2048xf32, #tpu.memory_space<vmem>> -> memref<2048xf32, #tpu.memory_space<vmem>>
    tpu.enqueue_dma source(%dma_start3A_48 : memref<2048xf32, #tpu.memory_space<vmem>>) target(%dma_start3A_45 : memref<2048xf32, #tpu.memory_space<any>>) target_semaphore(%dma_start3A_44 : memref<!tpu.dma_semaphore, #tpu.memory_space<semaphore_mem>>)
    %eq3A_49 = arith.constant 244 : i32
    %eq3A_50 = arith.cmpi eq, %arg0, %eq3A_49 : i32
    %convert_element_type3A_51 = arith.extui %eq3A_50 : i1 to i32
    %cond3A_52 = arith.constant 0 : i32
    %cond3A_53 = arith.cmpi ne, %convert_element_type3A_51, %cond3A_52 : i32
    scf.if %cond3A_53 {
      %sub3A = arith.constant 1 : i32
      %sub3A_54 = arith.subi %sub3A, %rem3A_0 : i32
      %sub3A_55 = arith.constant 1 : i32
      %sub3A_56 = arith.subi %arg0, %sub3A_55 : i32
      %mul3A_57 = arith.constant 2048 : i32
      %mul3A_58 = arith.muli %sub3A_56, %mul3A_57 : i32
      %sub3A_59 = arith.constant 1 : i32
      %sub3A_60 = arith.subi %sub3A_59, %rem3A_0 : i32
      %dma_wait3A = tpu.memref_slice %arg5[%sub3A_60] : memref<2x!tpu.dma_semaphore, #tpu.memory_space<semaphore_mem>> -> memref<1x!tpu.dma_semaphore, #tpu.memory_space<semaphore_mem>>
      %dma_wait3A_61 = tpu.memref_squeeze %dma_wait3A : memref<1x!tpu.dma_semaphore, #tpu.memory_space<semaphore_mem>> -> memref<!tpu.dma_semaphore, #tpu.memory_space<semaphore_mem>>
      %dma_wait3A_62 = tpu.memref_slice %arg3[%mul3A_58] : memref<501760xf32, #tpu.memory_space<any>> -> memref<2048xf32, #tpu.memory_space<any>>
      %dma_wait3A_63 = arith.constant 0 : i32
      %dma_wait3A_64 = tpu.memref_slice %arg4[%sub3A_54, %dma_wait3A_63] : memref<2x2048xf32, #tpu.memory_space<vmem>> -> memref<1x2048xf32, #tpu.memory_space<vmem>>
      %dma_wait3A_65 = tpu.memref_squeeze %dma_wait3A_64 : memref<1x2048xf32, #tpu.memory_space<vmem>> -> memref<2048xf32, #tpu.memory_space<vmem>>
      tpu.wait_dma2 semaphore(%dma_wait3A_61 : memref<!tpu.dma_semaphore, #tpu.memory_space<semaphore_mem>>) src(%dma_wait3A_65 : memref<2048xf32, #tpu.memory_space<vmem>>) dst(%dma_wait3A_62 : memref<2048xf32, #tpu.memory_space<any>>)
      %mul3A_66 = arith.constant 2048 : i32
      %mul3A_67 = arith.muli %arg0, %mul3A_66 : i32
      %dma_wait3A_68 = tpu.memref_slice %arg5[%rem3A_0] : memref<2x!tpu.dma_semaphore, #tpu.memory_space<semaphore_mem>> -> memref<1x!tpu.dma_semaphore, #tpu.memory_space<semaphore_mem>>
      %dma_wait3A_69 = tpu.memref_squeeze %dma_wait3A_68 : memref<1x!tpu.dma_semaphore, #tpu.memory_space<semaphore_mem>> -> memref<!tpu.dma_semaphore, #tpu.memory_space<semaphore_mem>>
      %dma_wait3A_70 = tpu.memref_slice %arg3[%mul3A_67] : memref<501760xf32, #tpu.memory_space<any>> -> memref<2048xf32, #tpu.memory_space<any>>
      %dma_wait3A_71 = arith.constant 0 : i32
      %dma_wait3A_72 = tpu.memref_slice %arg4[%rem3A_0, %dma_wait3A_71] : memref<2x2048xf32, #tpu.memory_space<vmem>> -> memref<1x2048xf32, #tpu.memory_space<vmem>>
      %dma_wait3A_73 = tpu.memref_squeeze %dma_wait3A_72 : memref<1x2048xf32, #tpu.memory_space<vmem>> -> memref<2048xf32, #tpu.memory_space<vmem>>
      tpu.wait_dma2 semaphore(%dma_wait3A_69 : memref<!tpu.dma_semaphore, #tpu.memory_space<semaphore_mem>>) src(%dma_wait3A_73 : memref<2048xf32, #tpu.memory_space<vmem>>) dst(%dma_wait3A_70 : memref<2048xf32, #tpu.memory_space<any>>)
    } else {
    }
    return
  }
  func.func @transform_0(%arg0: i32) -> (i32, i32) {
    %add3A = arith.constant 0 : i32
    %add3A_0 = arith.addi %arg0, %add3A : i32
    %c0_i32 = arith.constant 0 : i32
    %c0_i32_1 = arith.constant 0 : i32
    return %c0_i32, %add3A_0 : i32, i32
  }
  func.func @transform_1(%arg0: i32) -> (i32, i32, i32) {
    %add3A = arith.constant 0 : i32
    %add3A_0 = arith.addi %arg0, %add3A : i32
    %c0_i32 = arith.constant 0 : i32
    %c0_i32_1 = arith.constant 0 : i32
    %c0_i32_2 = arith.constant 0 : i32
    return %add3A_0, %c0_i32, %c0_i32_1 : i32, i32, i32
  }
}

module attributes {stable_mosaic.version = 14 : i64} {
  func.func @_tc_body(%arg0: i32, %arg1: memref<100x2048xf32, #tpu.memory_space<vmem>>, %arg2: memref<1x1x2048xi32, #tpu.memory_space<vmem>>, %arg3: memref<499712xf32, #tpu.memory_space<any>>, %arg4: memref<2x2048xf32, #tpu.memory_space<vmem>>, %arg5: memref<2x!tpu.dma_semaphore, #tpu.memory_space<semaphore_mem>>) attributes {dimension_semantics = [#tpu.dimension_semantics<arbitrary>], iteration_bounds = array<i64: 244>, scalar_prefetch = 0 : i64, scratch_operands = 2 : i64, tpu.core_type = #tpu.core_type<tc>, window_params = [{transform_indices = @transform_0, window_bounds = array<i64: 100, 2048>}, {transform_indices = @transform_1, window_bounds = array<i64: 1, 1, 2048>}, {}]} {
    %rem3A = arith.constant 2 : i32
    %rem3A_0 = arith.remsi %arg0, %rem3A : i32
    %get3A = arith.constant 0 : index
    %get3A_1 = arith.constant 0 : index
    %get3A_2 = vector.load %arg1[%get3A, %get3A_1] : memref<100x2048xf32, #tpu.memory_space<vmem>>, vector<100x2048xf32>
    %get3A_3 = arith.constant 0 : index
    %get3A_4 = arith.constant 0 : index
    %get3A_5 = arith.constant 0 : index
    %get3A_6 = vector.load %arg2[%get3A_3, %get3A_4, %get3A_5] : memref<1x1x2048xi32, #tpu.memory_space<vmem>>, vector<1x1x2048xi32>
    %get3A_7 = vector.shape_cast %get3A_6 : vector<1x1x2048xi32> to vector<2048xi32>
    %exp3A = math.exp %get3A_2 : vector<100x2048xf32>
    %reduce_sum3A = arith.constant dense<0.000000e+00> : vector<2048xf32>
    %reduce_sum3A_8 = vector.multi_reduction <add>, %exp3A, %reduce_sum3A [0] : vector<100x2048xf32> to vector<2048xf32>
    %reduce_max3A = arith.constant dense<0xFF800000> : vector<2048xf32>
    %reduce_max3A_9 = vector.multi_reduction <maximumf>, %exp3A, %reduce_max3A [0] : vector<100x2048xf32> to vector<2048xf32>
    %broadcast_in_dim3A = vector.shape_cast %reduce_max3A_9 : vector<2048xf32> to vector<1x2048xf32>
    %squeeze3A = vector.shape_cast %broadcast_in_dim3A : vector<1x2048xf32> to vector<2048xf32>
    %div3A = arith.divf %squeeze3A, %reduce_sum3A_8 : vector<2048xf32>
    %eq3A = vector.broadcast %broadcast_in_dim3A : vector<1x2048xf32> to vector<100x2048xf32>
    %eq3A_10 = arith.cmpf oeq, %exp3A, %eq3A : vector<100x2048xf32>
    %convert_element_type3A = arith.extui %eq3A_10 : vector<100x2048xi1> to vector<100x2048xi32>
    %convert_element_type3A_11 = arith.sitofp %convert_element_type3A : vector<100x2048xi32> to vector<100x2048xf32>
    %iota3A = tpu.iota {dimensions = array<i32: 1>} : vector<8x100xi32>
    %convert_element_type3A_12 = arith.sitofp %iota3A : vector<8x100xi32> to vector<8x100xf32>
    %dot_general3A = arith.constant dense<0.000000e+00> : vector<8x2048xf32>
    %dot_general3A_13 = tpu.matmul %convert_element_type3A_12, %convert_element_type3A_11, %dot_general3A {dimension_numbers = #tpu.dot_dimension_numbers<[1], [0], [0], [1], [0, 0, 1, 1], [], []>, transpose_lhs_hint = false} : vector<8x100xf32>, vector<100x2048xf32>, vector<8x2048xf32> -> vector<8x2048xf32>
    %slice3A = vector.extract_strided_slice %dot_general3A_13 {offsets = [0, 0], sizes = [1, 2048], strides = [1, 1]} : vector<8x2048xf32> to vector<1x2048xf32>
    %squeeze3A_14 = vector.shape_cast %slice3A : vector<1x2048xf32> to vector<2048xf32>
    %convert_element_type3A_15 = arith.sitofp %get3A_7 : vector<2048xi32> to vector<2048xf32>
    %eq3A_16 = arith.cmpf oeq, %squeeze3A_14, %convert_element_type3A_15 : vector<2048xf32>
    %neg3A = arith.constant 0.000000e+00 : f32
    %neg3A_17 = vector.broadcast %neg3A : f32 to vector<2048xf32>
    %neg3A_18 = arith.subf %neg3A_17, %div3A : vector<2048xf32>
    %select_n3A = arith.select %eq3A_16, %div3A, %neg3A_18 : vector<2048xi1>, vector<2048xf32>
    %add3A = arith.constant 245 : i32
    %add3A_19 = arith.addi %add3A, %arg0 : i32
    %mul3A = arith.constant 2048 : i32
    %mul3A_20 = arith.muli %add3A_19, %mul3A : i32
    %iota3A_21 = tpu.iota {dimensions = array<i32: 1>} : vector<1x2048xi32>
    %iota3A_22 = vector.shape_cast %iota3A_21 : vector<1x2048xi32> to vector<2048xi32>
    %add3A_23 = vector.broadcast %mul3A_20 : i32 to vector<2048xi32>
    %add3A_24 = arith.addi %add3A_23, %iota3A_22 : vector<2048xi32>
    %lt3A = arith.constant 1000000 : i32
    %lt3A_25 = vector.broadcast %lt3A : i32 to vector<2048xi32>
    %lt3A_26 = arith.cmpi slt, %add3A_24, %lt3A_25 : vector<2048xi32>
    %jit3A = arith.constant 0.000000e+00 : f32
    %broadcast_in_dim3A_27 = vector.broadcast %jit3A : f32 to vector<2048xf32>
    %select_n3A_28 = arith.select %lt3A_26, %select_n3A, %broadcast_in_dim3A_27 : vector<2048xi1>, vector<2048xf32>
    %ge3A = arith.constant 2 : i32
    %ge3A_29 = arith.cmpi sge, %arg0, %ge3A : i32
    %convert_element_type3A_30 = arith.extui %ge3A_29 : i1 to i32
    %cond3A = arith.constant 0 : i32
    %cond3A_31 = arith.cmpi ne, %convert_element_type3A_30, %cond3A : i32
    scf.if %cond3A_31 {
      %sub3A = arith.constant 2 : i32
      %sub3A_54 = arith.subi %arg0, %sub3A : i32
      %mul3A_55 = arith.constant 2048 : i32
      %mul3A_56 = arith.muli %sub3A_54, %mul3A_55 : i32
      %dma_wait3A = tpu.memref_slice %arg5[%rem3A_0] : memref<2x!tpu.dma_semaphore, #tpu.memory_space<semaphore_mem>> -> memref<1x!tpu.dma_semaphore, #tpu.memory_space<semaphore_mem>>
      %dma_wait3A_57 = tpu.memref_squeeze %dma_wait3A : memref<1x!tpu.dma_semaphore, #tpu.memory_space<semaphore_mem>> -> memref<!tpu.dma_semaphore, #tpu.memory_space<semaphore_mem>>
      %dma_wait3A_58 = tpu.memref_slice %arg3[%mul3A_56] : memref<499712xf32, #tpu.memory_space<any>> -> memref<2048xf32, #tpu.memory_space<any>>
      %dma_wait3A_59 = arith.constant 0 : i32
      %dma_wait3A_60 = tpu.memref_slice %arg4[%rem3A_0, %dma_wait3A_59] : memref<2x2048xf32, #tpu.memory_space<vmem>> -> memref<1x2048xf32, #tpu.memory_space<vmem>>
      %dma_wait3A_61 = tpu.memref_squeeze %dma_wait3A_60 : memref<1x2048xf32, #tpu.memory_space<vmem>> -> memref<2048xf32, #tpu.memory_space<vmem>>
      tpu.wait_dma2 semaphore(%dma_wait3A_57 : memref<!tpu.dma_semaphore, #tpu.memory_space<semaphore_mem>>) src(%dma_wait3A_61 : memref<2048xf32, #tpu.memory_space<vmem>>) dst(%dma_wait3A_58 : memref<2048xf32, #tpu.memory_space<any>>)
    } else {
    }
    %eq3A_32 = arith.constant 0 : i32
    %eq3A_33 = arith.cmpi eq, %rem3A_0, %eq3A_32 : i32
    %convert_element_type3A_34 = arith.extui %eq3A_33 : i1 to i32
    %cond3A_35 = arith.constant 0 : i32
    %cond3A_36 = arith.cmpi ne, %convert_element_type3A_34, %cond3A_35 : i32
    scf.if %cond3A_36 {
      %swap3A = arith.constant 0 : index
      %swap3A_54 = arith.constant 0 : index
      %swap3A_55 = vector.load %arg4[%swap3A, %swap3A_54] : memref<2x2048xf32, #tpu.memory_space<vmem>>, vector<1x2048xf32>
      %swap3A_56 = vector.shape_cast %swap3A_55 : vector<1x2048xf32> to vector<2048xf32>
      %swap3A_57 = vector.shape_cast %select_n3A_28 : vector<2048xf32> to vector<1x2048xf32>
      tpu.vector_store %arg4[%swap3A, %swap3A_54], %swap3A_57 {strides = array<i32>} : memref<2x2048xf32, #tpu.memory_space<vmem>>, vector<1x2048xf32>,
    } else {
    }
    %eq3A_37 = arith.constant 1 : i32
    %eq3A_38 = arith.cmpi eq, %rem3A_0, %eq3A_37 : i32
    %convert_element_type3A_39 = arith.extui %eq3A_38 : i1 to i32
    %cond3A_40 = arith.constant 0 : i32
    %cond3A_41 = arith.cmpi ne, %convert_element_type3A_39, %cond3A_40 : i32
    scf.if %cond3A_41 {
      %swap3A = arith.constant 1 : index
      %swap3A_54 = arith.constant 0 : index
      %swap3A_55 = vector.load %arg4[%swap3A, %swap3A_54] : memref<2x2048xf32, #tpu.memory_space<vmem>>, vector<1x2048xf32>
      %swap3A_56 = vector.shape_cast %swap3A_55 : vector<1x2048xf32> to vector<2048xf32>
      %swap3A_57 = vector.shape_cast %select_n3A_28 : vector<2048xf32> to vector<1x2048xf32>
      tpu.vector_store %arg4[%swap3A, %swap3A_54], %swap3A_57 {strides = array<i32>} : memref<2x2048xf32, #tpu.memory_space<vmem>>, vector<1x2048xf32>,
    } else {
    }
    %mul3A_42 = arith.constant 2048 : i32
    %mul3A_43 = arith.muli %arg0, %mul3A_42 : i32
    %dma_start3A = tpu.memref_slice %arg5[%rem3A_0] : memref<2x!tpu.dma_semaphore, #tpu.memory_space<semaphore_mem>> -> memref<1x!tpu.dma_semaphore, #tpu.memory_space<semaphore_mem>>
    %dma_start3A_44 = tpu.memref_squeeze %dma_start3A : memref<1x!tpu.dma_semaphore, #tpu.memory_space<semaphore_mem>> -> memref<!tpu.dma_semaphore, #tpu.memory_space<semaphore_mem>>
    %dma_start3A_45 = tpu.memref_slice %arg3[%mul3A_43] : memref<499712xf32, #tpu.memory_space<any>> -> memref<2048xf32, #tpu.memory_space<any>>
    %dma_start3A_46 = arith.constant 0 : i32
    %dma_start3A_47 = tpu.memref_slice %arg4[%rem3A_0, %dma_start3A_46] : memref<2x2048xf32, #tpu.memory_space<vmem>> -> memref<1x2048xf32, #tpu.memory_space<vmem>>
    %dma_start3A_48 = tpu.memref_squeeze %dma_start3A_47 : memref<1x2048xf32, #tpu.memory_space<vmem>> -> memref<2048xf32, #tpu.memory_space<vmem>>
    tpu.enqueue_dma source(%dma_start3A_48 : memref<2048xf32, #tpu.memory_space<vmem>>) target(%dma_start3A_45 : memref<2048xf32, #tpu.memory_space<any>>) target_semaphore(%dma_start3A_44 : memref<!tpu.dma_semaphore, #tpu.memory_space<semaphore_mem>>)
    %eq3A_49 = arith.constant 243 : i32
    %eq3A_50 = arith.cmpi eq, %arg0, %eq3A_49 : i32
    %convert_element_type3A_51 = arith.extui %eq3A_50 : i1 to i32
    %cond3A_52 = arith.constant 0 : i32
    %cond3A_53 = arith.cmpi ne, %convert_element_type3A_51, %cond3A_52 : i32
    scf.if %cond3A_53 {
      %sub3A = arith.constant 1 : i32
      %sub3A_54 = arith.subi %sub3A, %rem3A_0 : i32
      %sub3A_55 = arith.constant 1 : i32
      %sub3A_56 = arith.subi %arg0, %sub3A_55 : i32
      %mul3A_57 = arith.constant 2048 : i32
      %mul3A_58 = arith.muli %sub3A_56, %mul3A_57 : i32
      %sub3A_59 = arith.constant 1 : i32
      %sub3A_60 = arith.subi %sub3A_59, %rem3A_0 : i32
      %dma_wait3A = tpu.memref_slice %arg5[%sub3A_60] : memref<2x!tpu.dma_semaphore, #tpu.memory_space<semaphore_mem>> -> memref<1x!tpu.dma_semaphore, #tpu.memory_space<semaphore_mem>>
      %dma_wait3A_61 = tpu.memref_squeeze %dma_wait3A : memref<1x!tpu.dma_semaphore, #tpu.memory_space<semaphore_mem>> -> memref<!tpu.dma_semaphore, #tpu.memory_space<semaphore_mem>>
      %dma_wait3A_62 = tpu.memref_slice %arg3[%mul3A_58] : memref<499712xf32, #tpu.memory_space<any>> -> memref<2048xf32, #tpu.memory_space<any>>
      %dma_wait3A_63 = arith.constant 0 : i32
      %dma_wait3A_64 = tpu.memref_slice %arg4[%sub3A_54, %dma_wait3A_63] : memref<2x2048xf32, #tpu.memory_space<vmem>> -> memref<1x2048xf32, #tpu.memory_space<vmem>>
      %dma_wait3A_65 = tpu.memref_squeeze %dma_wait3A_64 : memref<1x2048xf32, #tpu.memory_space<vmem>> -> memref<2048xf32, #tpu.memory_space<vmem>>
      tpu.wait_dma2 semaphore(%dma_wait3A_61 : memref<!tpu.dma_semaphore, #tpu.memory_space<semaphore_mem>>) src(%dma_wait3A_65 : memref<2048xf32, #tpu.memory_space<vmem>>) dst(%dma_wait3A_62 : memref<2048xf32, #tpu.memory_space<any>>)
      %mul3A_66 = arith.constant 2048 : i32
      %mul3A_67 = arith.muli %arg0, %mul3A_66 : i32
      %dma_wait3A_68 = tpu.memref_slice %arg5[%rem3A_0] : memref<2x!tpu.dma_semaphore, #tpu.memory_space<semaphore_mem>> -> memref<1x!tpu.dma_semaphore, #tpu.memory_space<semaphore_mem>>
      %dma_wait3A_69 = tpu.memref_squeeze %dma_wait3A_68 : memref<1x!tpu.dma_semaphore, #tpu.memory_space<semaphore_mem>> -> memref<!tpu.dma_semaphore, #tpu.memory_space<semaphore_mem>>
      %dma_wait3A_70 = tpu.memref_slice %arg3[%mul3A_67] : memref<499712xf32, #tpu.memory_space<any>> -> memref<2048xf32, #tpu.memory_space<any>>
      %dma_wait3A_71 = arith.constant 0 : i32
      %dma_wait3A_72 = tpu.memref_slice %arg4[%rem3A_0, %dma_wait3A_71] : memref<2x2048xf32, #tpu.memory_space<vmem>> -> memref<1x2048xf32, #tpu.memory_space<vmem>>
      %dma_wait3A_73 = tpu.memref_squeeze %dma_wait3A_72 : memref<1x2048xf32, #tpu.memory_space<vmem>> -> memref<2048xf32, #tpu.memory_space<vmem>>
      tpu.wait_dma2 semaphore(%dma_wait3A_69 : memref<!tpu.dma_semaphore, #tpu.memory_space<semaphore_mem>>) src(%dma_wait3A_73 : memref<2048xf32, #tpu.memory_space<vmem>>) dst(%dma_wait3A_70 : memref<2048xf32, #tpu.memory_space<any>>)
    } else {
    }
    return
  }
  func.func @transform_0(%arg0: i32) -> (i32, i32) {
    %add3A = arith.constant 245 : i32
    %add3A_0 = arith.addi %arg0, %add3A : i32
    %c0_i32 = arith.constant 0 : i32
    %c0_i32_1 = arith.constant 0 : i32
    return %c0_i32, %add3A_0 : i32, i32
  }
  func.func @transform_1(%arg0: i32) -> (i32, i32, i32) {
    %add3A = arith.constant 245 : i32
    %add3A_0 = arith.addi %arg0, %add3A : i32
    %c0_i32 = arith.constant 0 : i32
    %c0_i32_1 = arith.constant 0 : i32
    %c0_i32_2 = arith.constant 0 : i32
    return %add3A_0, %c0_i32, %c0_i32_1 : i32, i32, i32
  }
}

</mosaic_0001>

<sc_bundles>
// kernel: kernel.6.cloned.1.call-start
scs
__scs_entry_jumppad:
0x0: {  	(pc) =	sbr.rel $0x88, $3  }
0x1: {  	(tag) =	ssettag $0x0;
	lr =	simm.s32 $0x1  }
0x2: {  	[smem:$0x3F9F] =	sst lr;
	_ =	strace $0xD0000000  }
0x3: {  	_ = 	snop  }
0x4: {  	_ = 	snop  }
0x5: {  	_ = 	snop  }
0x6: {  	_ = 	snop  }
0x7: {  	_ = 	snop  }
__scs_overlays_trampoline_lowered:
0x8: {  	[smem:$0x3FAE] =	sst s0  }
0x9: {  	[smem:$0x3FAF] =	sst s1  }
0xa: {  	[smem:$0x3FB0] =	sst s2  }
0xb: {  	[smem:$0x3FB1] =	sst s3  }
0xc: {  	[smem:$0x3FB2] =	sst s4  }
0xd: {  	[smem:$0x3FB3] =	sst s5  }
0xe: {  	[smem:$0x3FB4] =	sst s6  }
0xf: {  	[smem:$0x3FB5] =	sst s7  }
0x10: {  	[smem:$0x3FB6] =	sst s8  }
0x11: {  	[smem:$0x3FB7] =	sst s9;
	s0 =	simm.s32 @!p0 $0x0  }
0x12: {  	s1 =	sld [smem:$0x3F9D];
	s0 =	simm.s32 @p0 $0x1  }
0x13: {  	[smem:$0x3FB8] =	sst s0;
	s0 =	simm.s32 @!p1 $0x0  }
0x14: {  	s2 =	sld [smem:$0x3F9C];
	s0 =	simm.s32 @p1 $0x1  }
0x15: {  	[smem:$0x3FB9] =	sst s0;
	s0 =	simm.s32 @!p2 $0x0  }
0x16: {  	s3 =	sld [smem:$0x3FDB];
	s0 =	simm.s32 @p2 $0x1  }
0x17: {  	s4 =	simm.s32 $0x1BF5;
	[smem:$0x3FBB] =	sst s0  }
0x18: {  	s0 =	sld [smem:$0x3F9E];
	_ =	swait.ge [sflag:s4], $0x0  }
0x19: {  	s7 =	sld [smem:$0x3F9F]  }
0x1a: {  	s8 =	sadd.s32 $0xFFFFE003, lr  }
0x1b: {  	s9 =	sadd.s32 $0xFFFFFEF7, lr;
	s5 =	simm.s32 $0xFFFFFFFF;
	p2 =	slt.u32 s8, $0xFFFFF086  }
0x1c: {  	p1 =	slt.u32 s9, $0xF7A;
	s5 =	simm.s32 @!p2 $0x0  }
0x1d: {  	s5 =	simm.s32 @p1 $0x1;
	p0 =	seq.s32 s7, s2  }
0x1e: {  	s7 =	smul.u32 @!p0 $0xF7A, s2;
	p2 =	seq.s32 @!p0 s5, $0x0  }
0x1f: {  	s9 =	smul.u32 $0xF7A, s1;
	s8 =	simm.s32 @!p0 $0x1BF5;
	p2 =	por !p2, p0  }
0x20: {  	[sflag:s8] =	ssyncset.s32 @!p0 $0xFFFFF086;
	s6 =	sadd.s32 @!p0 s3, s7;
	s7 =	simm.s32 @!p0 $0x108  }
0x21: {  	s3 =	sadd.s32 s3, s9;
	s6 =	sadd.s32 @!p0 $0x88, s6;
	s7 =	simm.s32 @p2 $0x1082  }
0x22: {  	[simem:s7], [sflag:s8] =	dma.local @!p0 [hbm:s6], $0xF7A  }
0x23: {  	s9 =	sor.u32 $0xD0000000, s2;
	s6 =	simm.s32 $0x108;
	_ =	swait.ge @!p0 [sflag:s8], $0x0  }
0x24: {  	s3 =	sadd.s32 $0x88, s3;
	s6 =	simm.s32 @!p1 $0x1082;
	[sflag:s4] =	ssyncset.s32 $0xFFFFF086  }
0x25: {  	[simem:s6], [sflag:s4] =	dma.local [hbm:s3], $0xF7A  }
0x26: {  	[smem:$0x3F9F] =	sst s1;
	(tag) =	ssettag s2;
	_ =	strace s9  }
0x27: {  	s1 =	sld [smem:$0x3FAF]  }
0x28: {  	s2 =	sld [smem:$0x3FB0]  }
0x29: {  	s4 =	sld [smem:$0x3FB2]  }
0x2a: {  	p0 =	seq.s32 s5, $0x0;
	s5 =	sld [smem:$0x3FB3]  }
0x2b: {  	s6 =	sld [smem:$0x3FB4]  }
0x2c: {  	s7 =	sld [smem:$0x3FB5]  }
0x2d: {  	s3 =	simm.s32 $0x108;
	s8 =	sld [smem:$0x3FB6]  }
0x2e: {  	s3 =	simm.s32 @!p0 $0x1082;
	s9 =	sld [smem:$0x3FB7]  }
0x2f: {  	lr =	sadd.s32 s0, s3;
	s0 =	sld [smem:$0x3FAE]  }
0x30: {  	s3 =	sld [smem:$0x3FB1]  }
0x31: {  	[smem:$0x3FBA] =	sst s10  }
0x32: {  	s10 =	sld [smem:$0x3FB8];
	_ =	sdelay $0x3  }
0x33: {  	p0 =	seq.s32 s10, $0x1;
	s10 =	sld [smem:$0x3FBA];
	_ =	sdelay $0x3  }
0x34: {  	[smem:$0x3FBA] =	sst s10  }
0x35: {  	s10 =	sld [smem:$0x3FB9];
	_ =	sdelay $0x3  }
0x36: {  	p1 =	seq.s32 s10, $0x1;
	s10 =	sld [smem:$0x3FBA];
	_ =	sdelay $0x3  }
0x37: {  	[smem:$0x3FBA] =	sst s10  }
0x38: {  	s10 =	sld [smem:$0x3FBB]  }
0x39: {  	_ = 	snop;
	(pc) =	sbr.ind lr, $3  }
0x3a: {  	_ = 	snop  }
0x3b: {  	_ = 	snop  }
0x3c: {  	p2 =	seq.s32 s10, $0x1;
	s10 =	sld [smem:$0x3FBA]  }
0x3d: {  	_ =	shalt  }
0x3e: {  	_ =	shalt  }
0x3f: {  	_ =	shalt  }
0x40: {  	_ =	shalt  }
0x41: {  	_ =	shalt  }
0x42: {  	_ =	shalt  }
0x43: {  	_ =	shalt  }
0x44: {  	_ =	shalt  }
0x45: {  	_ =	shalt  }
0x46: {  	_ =	shalt  }
0x47: {  	_ =	shalt  }
0x48: {  	_ =	shalt  }
0x49: {  	_ =	shalt  }
0x4a: {  	_ =	shalt  }
0x4b: {  	_ =	shalt  }
0x4c: {  	_ =	shalt  }
0x4d: {  	_ =	shalt  }
0x4e: {  	_ =	shalt  }
0x4f: {  	_ =	shalt  }
0x50: {  	_ =	shalt  }
0x51: {  	_ =	shalt  }
0x52: {  	_ =	shalt  }
0x53: {  	_ =	shalt  }
0x54: {  	_ =	shalt  }
0x55: {  	_ =	shalt  }
0x56: {  	_ =	shalt  }
0x57: {  	_ =	shalt  }
0x58: {  	_ =	shalt  }
0x59: {  	_ =	shalt  }
0x5a: {  	_ =	shalt  }
0x5b: {  	_ =	shalt  }
0x5c: {  	_ =	shalt  }
0x5d: {  	_ =	shalt  }
0x5e: {  	_ =	shalt  }
0x5f: {  	_ =	shalt  }
0x60: {  	_ =	shalt  }
0x61: {  	_ =	shalt  }
0x62: {  	_ =	shalt  }
0x63: {  	_ =	shalt  }
0x64: {  	_ =	shalt  }
0x65: {  	_ =	shalt  }
0x66: {  	_ =	shalt  }
0x67: {  	_ =	shalt  }
0x68: {  	_ =	shalt  }
0x69: {  	_ =	shalt  }
0x6a: {  	_ =	shalt  }
0x6b: {  	_ =	shalt  }
0x6c: {  	_ =	shalt  }
0x6d: {  	_ =	shalt  }
0x6e: {  	_ =	shalt  }
0x6f: {  	_ =	shalt  }
0x70: {  	_ =	shalt  }
0x71: {  	_ =	shalt  }
0x72: {  	_ =	shalt  }
0x73: {  	_ =	shalt  }
0x74: {  	_ =	shalt  }
0x75: {  	_ =	shalt  }
0x76: {  	_ =	shalt  }
0x77: {  	_ =	shalt  }
0x78: {  	_ =	shalt  }
0x79: {  	_ =	shalt  }
0x7a: {  	_ =	shalt  }
0x7b: {  	_ =	shalt  }
0x7c: {  	_ =	shalt  }
0x7d: {  	_ =	shalt  }
0x7e: {  	_ =	shalt  }
0x7f: {  	_ =	shalt  }
0x80: {  	_ =	shalt  }
0x81: {  	_ =	shalt  }
0x82: {  	_ =	shalt  }
0x83: {  	_ =	shalt  }
0x84: {  	_ =	shalt  }
0x85: {  	_ =	shalt  }
0x86: {  	_ =	shalt  }
0x87: {  	_ =	shalt  }
.Lfunc_end0:
.L_simem_size_0:
called_computation_lowered:
.L_overlay_start_0:
0x88: {  	s2 =	sld [smem:$0x3FD9]  }
0x89: {  	s3 =	sld [smem:$0x3FFE];
	_ =	sdelay $0x1  }
0x8a: {  	s1 =	srdreg.scid  }
0x8b: {  	s0 =	sand.u32 $0x1, s1  }
0x8c: {  	s16 =	sshll.u32 s0, $0xA;
	s2 =	sadd.s32 s3, s2  }
0x8d: {  	s2 =	sadd.s32 s2, s16  }
0x8e: {  	[smem:$0x3FC6] =	sst s2  }
0x8f: {  	_ = 	snop  }
0x90: {  	(tm) =	ssettm $0x1  }
0x91: {  	s17 =	sld [smem:$0x3FFB];
	_ =	sdelay $0x3  }
0x92: {  	_ =	strace s17  }
0x93: {  	s2 =	sld [smem:$0x3FFC];
	_ =	sdelay $0x3  }
0x94: {  	_ =	strace s2  }
0x95: {  	s2 =	sld [smem:$0x3FFD];
	_ =	sdelay $0x3  }
0x96: {  	_ =	strace s2  }
0x97: {  	_ =	strace $0x8FFFFFFF  }
0x98: {  	s18 =	sld [smem:$0x3FDB];
	_ =	sdelay $0x1  }
0x99: {  	s19 =	simm.s32 $_scs_section_size  }
0x9a: {  	s4 =	simm.s32 $_size__tile_overlayer_lowered;
	s5 =	simm.s32 $_tile_overlayer_lowered  }
0x9b: {  	s22 =	simm.s32 $0x1BFF;
	s21 =	sshll.u32 s5, $0x1;
	s2 =	sadd.s32 s19, s18  }
0x9c: {  	s6 =	simm.s32 $0x0;
	s20 =	sshll.u32 s4, $0x1;
	s4 =	sadd.s32 s21, s2  }
0x9d: {  	[timem:s6], [sflag:s22] =	dma.local [hbm:s4], s20  }
0x9e: {  	_ =	swait.ge [sflag:s22], s20  }
0x9f: {  	s3 =	ssub.s32 $0x0, s20;
	[sflag:s22] =	ssyncset.done $0x0  }
0xa0: {  	[sflag:s22] =	ssyncadd.s32 s3;
	_ =	sdelay $0x1  }
0xa1: {  	s23 =	simm.s32 $0x1B8B  }
0xa2: {  	_ =	swait.ge [sflag:s23], $0x1  }
0xa3: {  	[sflag:s23] =	ssyncset.done $0x0  }
0xa4: {  	s25 =	simm.s32 $0x1B8E;
	s24 =	sld [smem:$0x3FFE];
	[sflag:s23] =	ssyncadd.s32 $0xFFFFFFFF  }
0xa5: {  	s26 =	simm.s32 $execute0_lowered;
	[smem:$0x3FD2] =	sst s25  }
0xa6: {  	s4 =	sshll.u32 s26, $0x1;
	_ =	strace $0x80000046;
	[dreg:$0x1] =	wrdreg $0xFFFFFFFF  }
0xa7: {  	s28 =	simm.s32 $_size_execute0_lowered;
	s2 =	sadd.s32 s2, s4;
	[dreg:$0x0] =	wrdreg $0x0  }
0xa8: {  	s4 =	sshll.u32 s28, $0x1;
	[dreg:$0x2] =	wrdreg s2  }
0xa9: {  	[dreg:$0x3] =	wrdreg s4  }
0xaa: {  	[dreg:$0x4] =	wrdreg $0xC0  }
0xab: {  	_ =	task [dreg:s6], $0x5FFFF  }
0xac: {  	[dreg:$0x1] =	wrdreg $0xFFFFFFFF  }
0xad: {  	[dreg:$0x0] =	wrdreg $0x60  }
0xae: {  	[dreg:$0x2] =	wrdreg s24  }
0xaf: {  	[dreg:$0x3] =	wrdreg $0x9  }
0xb0: {  	_ =	task.clear_ibuf [dreg:s6], $0x4FFFF;
	_ =	strace $0x90000046  }
0xb1: {  	s29 =	simm.s32 $0x9;
	_ =	strace $0x80000048  }
0xb2: {  	_ =	swait.ge [sflag:s29], $0x1  }
0xb3: {  	[sflag:s29] =	ssyncadd.s32 $0xFFFFFFFF  }
0xb4: {  	_ =	strace $0x90000048  }
0xb5: {  	_ =	sfence  }
0xb6: {  	s30 =	sld [smem:$0x0];
	_ =	sdelay $0x2  }
0xb7: {  	s31 =	sshll.u32 s1, $0xD;
	s1 =	sshrl.u32 s1, $0x2  }
0xb8: {  	s3 =	sand.u32 $0x4000, s31;
	s1 =	sadd.s32 s1, s30  }
0xb9: {  	s0 =	sor.u32 s3, s0;
	s1 =	sshll.u32 s1, $0x11  }
0xba: {  	s0 =	sor.u32 s1, s0  }
0xbb: {  	s0 =	sadd.s32 $0x8F2B, s0  }
0xbc: {  	[sflag:s0] =	ssyncadd.remote.s32 $0x1  }
0xbd: {  	_ =	sfence.sel $0xFFFF  }
0xbe: {  	[dreg:$0x0] =	wrdreg $0xFFFFFFFF;
	(pc) =	sbr.abs _section_cstart, $3  }
0xbf: {  	[dreg:$0x1] =	wrdreg $0xFFFFFFFF  }
0xc0: {  	_ =	task.clear_ibuf [dreg:s6], $0x2FFFF;
	_ =	strace $0x9FFFFFFF  }
0xc1: {  	(tm) =	ssettm $0x7FFFFFFF  }
tec
execute0_lowered:
.L_overlay_start_1:
0x0: {  	(tag) =	ssettag $0x1  }
0x1: {  	s3 =	rddreg [dreg:$0x0]  }
0x2: {  	s0 =	rddreg [dreg:$0x1]  }
0x3: {  	s4 =	srdreg.scid;
	s1 =	stileid.u32  }
0x4: {  	s2 =	simm.s32 $0x0;
	s8 =	simm.s32 $0x4080;
	s9 =	simm.s32 $0x4180  }
0x5: {  	s10 =	simm.s32 $0x3D80;
	s4 =	sand.u32 $0x1, s4;
	s5 =	sshll.u32 s1, $0x1  }
0x6: {  	s11 =	simm.s32 $0x0;
	[smem:$0x7FF] =	sst s2;
	s5 =	sor.u32 s4, s5  }
0x7: {  	v0 =	vlaneseq.u32;
	s4 =	ssub.s32 $0x2, s4;
	s6 =	sshll.u32 s5, $0x6;
	s5 =	smul.u32 $0x7A8, s5  }
0x8: {  	v0 =	vmul.u32 $0x10, v0;
	_ =	strace $0x80000047;
	s7 =	sshrl.u32 s4, $0x1;
	s6 =	sadd.s32 s6, s3  }
0x9: {  	v1 =	vimm.f32 $0.0e+00;
	s7 =	ssub.s32 s4, s7;
	s3 =	sadd.s32 s3, s5;
	s4 =	sadd.s32 $0xF600, s6  }
0xa: {  	v2 =	vimm.f32 $1.000000000e+00;
	v3 =	vimm.s32 $0x0;
	v4 =	vor.u32 $0xF, v0;
	s5 =	smax.u32 s7, $0x1;
	s6 =	simm.s32 $0x1;
	s7 =	simm.s32 $0x3F80  }
.LBB2_1:
0xb: {  	[tilespmem:s2], [sflag:$0x1] =	stream.linear.gather [hbm4b:s3+s2], $0x3D40, $0x38;
	[tilespmem:$0x4280] =	vst v63  }
0xc: {  	_ =	swait.ge [sflag:s6], $0x3D40  }
0xd: {  	[sflag:s6] =	ssyncset.done $0x0  }
0xe: {  	[sflag:s6] =	ssyncadd.s32 $0xFFFFC2C0  }
0xf: {  	[tilespmem:$0x3F80] =	vst v1  }
0x10: {  	[tilespmem:$0x4080] =	vst v1  }
0x11: {  	[tilespmem:$0x4180] =	vst v1  }
0x12: {  	[tilespmem:$0x3F90] =	vst v1  }
0x13: {  	[tilespmem:$0x4090] =	vst v1  }
0x14: {  	[tilespmem:$0x4190] =	vst v1  }
0x15: {  	[tilespmem:$0x3FA0] =	vst v1  }
0x16: {  	[tilespmem:$0x40A0] =	vst v1  }
0x17: {  	[tilespmem:$0x41A0] =	vst v1  }
0x18: {  	[tilespmem:$0x3FB0] =	vst v1  }
0x19: {  	[tilespmem:$0x40B0] =	vst v1  }
0x1a: {  	[tilespmem:$0x41B0] =	vst v1  }
0x1b: {  	[tilespmem:$0x3FC0] =	vst v1  }
0x1c: {  	[tilespmem:$0x40C0] =	vst v1  }
0x1d: {  	[tilespmem:$0x41C0] =	vst v1  }
0x1e: {  	[tilespmem:$0x3FD0] =	vst v1  }
0x1f: {  	[tilespmem:$0x40D0] =	vst v1  }
0x20: {  	[tilespmem:$0x41D0] =	vst v1  }
0x21: {  	[tilespmem:$0x3FE0] =	vst v1  }
0x22: {  	[tilespmem:$0x40E0] =	vst v1  }
0x23: {  	[tilespmem:$0x41E0] =	vst v1  }
0x24: {  	[tilespmem:$0x3FF0] =	vst v1  }
0x25: {  	[tilespmem:$0x40F0] =	vst v1  }
0x26: {  	[tilespmem:$0x41F0] =	vst v1  }
0x27: {  	[tilespmem:$0x4000] =	vst v1  }
0x28: {  	[tilespmem:$0x4100] =	vst v1  }
0x29: {  	[tilespmem:$0x4200] =	vst v1  }
0x2a: {  	[tilespmem:$0x4010] =	vst v1  }
0x2b: {  	[tilespmem:$0x4110] =	vst v1  }
0x2c: {  	[tilespmem:$0x4210] =	vst v1  }
0x2d: {  	[tilespmem:$0x4020] =	vst v1  }
0x2e: {  	[tilespmem:$0x4120] =	vst v1  }
0x2f: {  	[tilespmem:$0x4220] =	vst v1  }
0x30: {  	[tilespmem:$0x4030] =	vst v1  }
0x31: {  	[tilespmem:$0x4130] =	vst v1  }
0x32: {  	[tilespmem:$0x4230] =	vst v1  }
0x33: {  	[tilespmem:$0x4040] =	vst v1  }
0x34: {  	[tilespmem:$0x4140] =	vst v1  }
0x35: {  	[tilespmem:$0x4240] =	vst v1  }
0x36: {  	[tilespmem:$0x4050] =	vst v1  }
0x37: {  	[tilespmem:$0x4150] =	vst v1  }
0x38: {  	[tilespmem:$0x4250] =	vst v1  }
0x39: {  	[tilespmem:$0x4060] =	vst v1  }
0x3a: {  	[tilespmem:$0x4160] =	vst v1  }
0x3b: {  	[tilespmem:$0x4260] =	vst v1  }
0x3c: {  	[tilespmem:$0x4070] =	vst v1  }
0x3d: {  	[tilespmem:$0x4170] =	vst v1  }
0x3e: {  	s12 =	simm.s32 $0x0;
	[tilespmem:$0x4270] =	vst v1  }
0x3f: {  	v5 =	vld [tilespmem:s12+$0x0]  }
0x40: {  	s12 =	simm.s32 $0x40  }
.LBB2_2:
0x41: {  	p0 =	sne.s32 s12, $0xF4C0;
	_ =	sdelay $0x2  }
0x42: {  	v6 =	vand.u32 $0x7FFFFFFF, v5  }
0x43: {  	v7 =	vmul.f32 $1.000000000e+01, v6;
	_ =	sdelay $0x1  }
0x44: {  	v8 =	vtrunc.f32 v7  }
0x45: {  	v9 =	vcvt.f32.s32 v8;
	vm0 =	veq.f32 v7, v8  }
0x46: {  	v8 =	vsel vm0, $0xFFFFFFFF, v3  }
0x47: {  	v8 =	vadd.s32 v9, v8  }
0x48: {  	vm0 =	vgt.s32 v8, $0x0  }
0x49: {  	v8 =	vnsel vm0, $0x0, v8  }
0x4a: {  	vm0 =	vgt.f32 v7, $0.0e+00;
	v7 =	vadd.s32 v0, v8  }
0x4b: {  	v7 =	vsel vm0, v7, v4;
	_ =	sdelay $0x4  }
.Ltmp0:
0x4c: {  	vm0 =	vgt.f32 v5, $0.0e+00;
	[tilespmem:v7+s7+$0x0] =	vst.idx.add.f32.msk $0xffff, v2;
	(pc) =	sbr.rel @p0 .LBB2_2-.Ltmp0, $4  }
0x4d: {  	v5 =	vsel vm0, $0x3F800000, v1;
	[tilespmem:v7+s8+$0x0] =	vst.idx.add.f32.msk $0xffff, v6  }
0x4e: {  	s13 =	sshra.s32 s12, $0x2;
	[tilespmem:v7+s9+$0x0] =	vst.idx.add.f32.msk $0xffff, v5  }
0x4f: {  	v5 =	vld [tilespmem:s13+$0x0]  }
0x50: {  	s12 =	sadd.s32 $0x40, s12  }
0x51: {  	_ =	sdelay $0x2  }
0x52: {  	v6 =	vand.u32 $0x7FFFFFFF, v5  }
0x53: {  	v7 =	vmul.f32 $1.000000000e+01, v6;
	_ =	sdelay $0x1  }
0x54: {  	v8 =	vtrunc.f32 v7  }
0x55: {  	v9 =	vcvt.f32.s32 v8;
	vm0 =	veq.f32 v7, v8  }
0x56: {  	v8 =	vsel vm0, $0xFFFFFFFF, v3  }
0x57: {  	v8 =	vadd.s32 v9, v8  }
0x58: {  	vm13 =	vgt.s32 v8, $0x0  }
0x59: {  	v8 =	vnsel vm13, $0x0, v8  }
0x5a: {  	vm14 =	vgt.f32 v7, $0.0e+00;
	v7 =	vadd.s32 v0, v8  }
0x5b: {  	v7 =	vsel vm14, v7, v4;
	_ =	sdelay $0x4  }
0x5c: {  	vm15 =	vgt.f32 v5, $0.0e+00;
	[tilespmem:v7+s7+$0x0] =	vst.idx.add.f32.msk $0xffff, v2  }
0x5d: {  	v5 =	vsel vm15, $0x3F800000, v1;
	[tilespmem:v7+s8+$0x0] =	vst.idx.add.f32.msk $0xffff, v6  }
0x5e: {  	[tilespmem:v7+s9+$0x0] =	vst.idx.add.f32.msk $0xffff, v5  }
0x5f: {  	v5 =	vld [tilespmem:$0x3F80]  }
0x60: {  	v6 =	vld [tilespmem:$0x4080]  }
0x61: {  	v7 =	vld [tilespmem:$0x4180]  }
0x62: {  	v36 =	vld [tilespmem:$0x3F90]  }
0x63: {  	v37 =	vld [tilespmem:$0x4090]  }
0x64: {  	v10 =	vld [tilespmem:$0x4190]  }
0x65: {  	v11 =	vld [tilespmem:$0x3FA0]  }
0x66: {  	v12 =	vld [tilespmem:$0x40A0]  }
0x67: {  	v13 =	vld [tilespmem:$0x41A0]  }
0x68: {  	v14 =	vld [tilespmem:$0x3FB0]  }
0x69: {  	v15 =	vld [tilespmem:$0x40B0]  }
0x6a: {  	v16 =	vld [tilespmem:$0x41B0]  }
0x6b: {  	v17 =	vld [tilespmem:$0x3FC0]  }
0x6c: {  	v18 =	vld [tilespmem:$0x40C0]  }
0x6d: {  	v19 =	vld [tilespmem:$0x41C0]  }
0x6e: {  	v20 =	vld [tilespmem:$0x3FD0]  }
0x6f: {  	v21 =	vld [tilespmem:$0x40D0]  }
0x70: {  	v22 =	vld [tilespmem:$0x41D0]  }
0x71: {  	v23 =	vld [tilespmem:$0x3FE0]  }
0x72: {  	v24 =	vld [tilespmem:$0x40E0]  }
0x73: {  	v25 =	vld [tilespmem:$0x41E0]  }
0x74: {  	v26 =	vld [tilespmem:$0x3FF0]  }
0x75: {  	v38 =	vld [tilespmem:$0x40F0];
	v5 =	vadd.f32 v36, v5  }
0x76: {  	v39 =	vld [tilespmem:$0x41F0];
	v6 =	vadd.f32 v37, v6  }
0x77: {  	v40 =	vld [tilespmem:$0x4000];
	v7 =	vadd.f32 v10, v7;
	v5 =	vadd.f32 v11, v5  }
0x78: {  	v41 =	vld [tilespmem:$0x4100];
	v6 =	vadd.f32 v12, v6  }
0x79: {  	v42 =	vld [tilespmem:$0x4200];
	v7 =	vadd.f32 v13, v7;
	v5 =	vadd.f32 v14, v5  }
0x7a: {  	v43 =	vld [tilespmem:$0x4010];
	v6 =	vadd.f32 v15, v6  }
0x7b: {  	v44 =	vld [tilespmem:$0x4110];
	v7 =	vadd.f32 v16, v7;
	v5 =	vadd.f32 v17, v5  }
0x7c: {  	v45 =	vld [tilespmem:$0x4210];
	v6 =	vadd.f32 v18, v6  }
0x7d: {  	v46 =	vld [tilespmem:$0x4020];
	v7 =	vadd.f32 v19, v7;
	v5 =	vadd.f32 v20, v5  }
0x7e: {  	v47 =	vld [tilespmem:$0x4120];
	v6 =	vadd.f32 v21, v6  }
0x7f: {  	v48 =	vld [tilespmem:$0x4220];
	v7 =	vadd.f32 v22, v7;
	v5 =	vadd.f32 v23, v5  }
0x80: {  	v49 =	vld [tilespmem:$0x4030];
	v6 =	vadd.f32 v24, v6  }
0x81: {  	v50 =	vld [tilespmem:$0x4130];
	v7 =	vadd.f32 v25, v7;
	v5 =	vadd.f32 v26, v5  }
0x82: {  	v51 =	vld [tilespmem:$0x4230];
	v6 =	vadd.f32 v38, v6  }
0x83: {  	v52 =	vld [tilespmem:$0x4040];
	v7 =	vadd.f32 v39, v7;
	v5 =	vadd.f32 v40, v5  }
0x84: {  	v53 =	vld [tilespmem:$0x4140];
	v6 =	vadd.f32 v41, v6  }
0x85: {  	v54 =	vld [tilespmem:$0x4240];
	v7 =	vadd.f32 v42, v7;
	v5 =	vadd.f32 v43, v5  }
0x86: {  	v55 =	vld [tilespmem:$0x4050];
	v6 =	vadd.f32 v44, v6  }
0x87: {  	v56 =	vld [tilespmem:$0x4150];
	v7 =	vadd.f32 v45, v7;
	v5 =	vadd.f32 v46, v5  }
0x88: {  	v57 =	vld [tilespmem:$0x4250];
	v6 =	vadd.f32 v47, v6  }
0x89: {  	v58 =	vld [tilespmem:$0x4060];
	v7 =	vadd.f32 v48, v7;
	v5 =	vadd.f32 v49, v5  }
0x8a: {  	v59 =	vld [tilespmem:$0x4160];
	v6 =	vadd.f32 v50, v6  }
0x8b: {  	v60 =	vld [tilespmem:$0x4260];
	v7 =	vadd.f32 v51, v7;
	v5 =	vadd.f32 v52, v5  }
0x8c: {  	v61 =	vld [tilespmem:$0x4070];
	v6 =	vadd.f32 v53, v6  }
0x8d: {  	v62 =	vld [tilespmem:$0x4170];
	v7 =	vadd.f32 v54, v7;
	v5 =	vadd.f32 v55, v5  }
0x8e: {  	v63 =	vld [tilespmem:$0x4270];
	v6 =	vadd.f32 v56, v6  }
0x8f: {  	v7 =	vadd.f32 v57, v7;
	v5 =	vadd.f32 v58, v5  }
0x90: {  	v6 =	vadd.f32 v59, v6  }
0x91: {  	v7 =	vadd.f32 v60, v7;
	v5 =	vadd.f32 v61, v5  }
0x92: {  	v6 =	vadd.f32 v62, v6  }
0x93: {  	s11 =	sadd.s32 $0x1, s11;
	v7 =	vadd.f32 v63, v7;
	[tilespmem:$0x3D80] =	vst v5  }
0x94: {  	p0 =	sne.s32 s11, s5;
	[tilespmem:$0x3E00] =	vst v6  }
.Ltmp1:
0x95: {  	[tilespmem:$0x3E80] =	vst v7;
	(pc) =	sbr.rel @p0 .LBB2_1-.Ltmp1, $4  }
0x96: {  	[hbm4b:s4+s2] =	stream.linear.scatter [tilespmem:s10], [sflag:$0x1], $0x180, $0x38;
	[tilespmem:$0x4280] =	vst v63  }
0x97: {  	_ =	swait.ge [sflag:s6], $0x180  }
0x98: {  	[sflag:s6] =	ssyncset.done $0x0  }
0x99: {  	[sflag:s6] =	ssyncadd.s32 $0xFFFFFE80  }
0x9a: {  	_ =	sfence.sel $0x180000  }
0x9b: {  	[bflag:$0x0] =	sbarrier.arrive $0xFFFF  }
0x9c: {  	p0 =	sne.s32 s1, $0x0;
	_ =	strace $0x90000047  }
0x9d: {  	s0 =	sadd.s32 @!p0 $0x100000, s0;
	[bflag:$0x2] =	sbarrier.arrive $0xFFFF  }
0x9e: {  	[sflag:s0] =	ssyncadd.tile.s32 @!p0 $0x1;
	_ =	shalt  }
.Lfunc_end2:
_tile_overlayer_lowered:
.L_overlay_start_2:
0x9f: {  	(tag) =	ssettag $0x2  }
0xa0: {  	s0 =	rddreg [dreg:$0x0];
	s2 =	stileid.u32  }
0xa1: {  	s1 =	rddreg [dreg:$0x1];
	p0 =	sne.s32 s2, $0x0  }
0xa2: {  	s3 =	rddreg [dreg:$0x2];
	[bflag:$0x3] =	sbarrier.arrive $0xFFFF;
	s2 =	simm.s32 @!p0 $0x1C01  }
0xa3: {  	[timem:s3], [sflag:s2] =	dma.local @!p0 [hbm:s0], s1  }
0xa4: {  	s0 =	simm.s32 @!p0 $0x1  }
0xa5: {  	_ =	swait.ge @!p0 [sflag:s0], s1  }
0xa6: {  	s1 =	ssub.s32 @!p0 $0x0, s1;
	[sflag:s0] =	ssyncset.done @!p0 $0x0  }
0xa7: {  	[sflag:s0] =	ssyncadd.s32 @!p0 s1  }
0xa8: {  	[bflag:$0x3] =	sbarrier.arrive $0xFFFF  }
0xa9: {  	_ =	shalt  }

// kernel: kernel.9.cloned.1.call-start
scs
__scs_entry_jumppad:
0x0: {  	(pc) =	sbr.rel $0x88, $3  }
0x1: {  	(tag) =	ssettag $0x0;
	lr =	simm.s32 $0x1  }
0x2: {  	[smem:$0x3F9F] =	sst lr;
	_ =	strace $0xD0000000  }
0x3: {  	_ = 	snop  }
0x4: {  	_ = 	snop  }
0x5: {  	_ = 	snop  }
0x6: {  	_ = 	snop  }
0x7: {  	_ = 	snop  }
__scs_overlays_trampoline_lowered:
0x8: {  	[smem:$0x3FAE] =	sst s0  }
0x9: {  	[smem:$0x3FAF] =	sst s1  }
0xa: {  	[smem:$0x3FB0] =	sst s2  }
0xb: {  	[smem:$0x3FB1] =	sst s3  }
0xc: {  	[smem:$0x3FB2] =	sst s4  }
0xd: {  	[smem:$0x3FB3] =	sst s5  }
0xe: {  	[smem:$0x3FB4] =	sst s6  }
0xf: {  	[smem:$0x3FB5] =	sst s7  }
0x10: {  	[smem:$0x3FB6] =	sst s8  }
0x11: {  	[smem:$0x3FB7] =	sst s9;
	s0 =	simm.s32 @!p0 $0x0  }
0x12: {  	s1 =	sld [smem:$0x3F9D];
	s0 =	simm.s32 @p0 $0x1  }
0x13: {  	[smem:$0x3FB8] =	sst s0;
	s0 =	simm.s32 @!p1 $0x0  }
0x14: {  	s2 =	sld [smem:$0x3F9C];
	s0 =	simm.s32 @p1 $0x1  }
0x15: {  	[smem:$0x3FB9] =	sst s0;
	s0 =	simm.s32 @!p2 $0x0  }
0x16: {  	s3 =	sld [smem:$0x3FDB];
	s0 =	simm.s32 @p2 $0x1  }
0x17: {  	s4 =	simm.s32 $0x1BF5;
	[smem:$0x3FBB] =	sst s0  }
0x18: {  	s0 =	sld [smem:$0x3F9E];
	_ =	swait.ge [sflag:s4], $0x0  }
0x19: {  	s7 =	sld [smem:$0x3F9F]  }
0x1a: {  	s8 =	sadd.s32 $0xFFFFE003, lr  }
0x1b: {  	s9 =	sadd.s32 $0xFFFFFEF7, lr;
	s5 =	simm.s32 $0xFFFFFFFF;
	p2 =	slt.u32 s8, $0xFFFFF086  }
0x1c: {  	p1 =	slt.u32 s9, $0xF7A;
	s5 =	simm.s32 @!p2 $0x0  }
0x1d: {  	s5 =	simm.s32 @p1 $0x1;
	p0 =	seq.s32 s7, s2  }
0x1e: {  	s7 =	smul.u32 @!p0 $0xF7A, s2;
	p2 =	seq.s32 @!p0 s5, $0x0  }
0x1f: {  	s9 =	smul.u32 $0xF7A, s1;
	s8 =	simm.s32 @!p0 $0x1BF5;
	p2 =	por !p2, p0  }
0x20: {  	[sflag:s8] =	ssyncset.s32 @!p0 $0xFFFFF086;
	s6 =	sadd.s32 @!p0 s3, s7;
	s7 =	simm.s32 @!p0 $0x108  }
0x21: {  	s3 =	sadd.s32 s3, s9;
	s6 =	sadd.s32 @!p0 $0x88, s6;
	s7 =	simm.s32 @p2 $0x1082  }
0x22: {  	[simem:s7], [sflag:s8] =	dma.local @!p0 [hbm:s6], $0xF7A  }
0x23: {  	s9 =	sor.u32 $0xD0000000, s2;
	s6 =	simm.s32 $0x108;
	_ =	swait.ge @!p0 [sflag:s8], $0x0  }
0x24: {  	s3 =	sadd.s32 $0x88, s3;
	s6 =	simm.s32 @!p1 $0x1082;
	[sflag:s4] =	ssyncset.s32 $0xFFFFF086  }
0x25: {  	[simem:s6], [sflag:s4] =	dma.local [hbm:s3], $0xF7A  }
0x26: {  	[smem:$0x3F9F] =	sst s1;
	(tag) =	ssettag s2;
	_ =	strace s9  }
0x27: {  	s1 =	sld [smem:$0x3FAF]  }
0x28: {  	s2 =	sld [smem:$0x3FB0]  }
0x29: {  	s4 =	sld [smem:$0x3FB2]  }
0x2a: {  	p0 =	seq.s32 s5, $0x0;
	s5 =	sld [smem:$0x3FB3]  }
0x2b: {  	s6 =	sld [smem:$0x3FB4]  }
0x2c: {  	s7 =	sld [smem:$0x3FB5]  }
0x2d: {  	s3 =	simm.s32 $0x108;
	s8 =	sld [smem:$0x3FB6]  }
0x2e: {  	s3 =	simm.s32 @!p0 $0x1082;
	s9 =	sld [smem:$0x3FB7]  }
0x2f: {  	lr =	sadd.s32 s0, s3;
	s0 =	sld [smem:$0x3FAE]  }
0x30: {  	s3 =	sld [smem:$0x3FB1]  }
0x31: {  	[smem:$0x3FBA] =	sst s10  }
0x32: {  	s10 =	sld [smem:$0x3FB8];
	_ =	sdelay $0x3  }
0x33: {  	p0 =	seq.s32 s10, $0x1;
	s10 =	sld [smem:$0x3FBA];
	_ =	sdelay $0x3  }
0x34: {  	[smem:$0x3FBA] =	sst s10  }
0x35: {  	s10 =	sld [smem:$0x3FB9];
	_ =	sdelay $0x3  }
0x36: {  	p1 =	seq.s32 s10, $0x1;
	s10 =	sld [smem:$0x3FBA];
	_ =	sdelay $0x3  }
0x37: {  	[smem:$0x3FBA] =	sst s10  }
0x38: {  	s10 =	sld [smem:$0x3FBB]  }
0x39: {  	_ = 	snop;
	(pc) =	sbr.ind lr, $3  }
0x3a: {  	_ = 	snop  }
0x3b: {  	_ = 	snop  }
0x3c: {  	p2 =	seq.s32 s10, $0x1;
	s10 =	sld [smem:$0x3FBA]  }
0x3d: {  	_ =	shalt  }
0x3e: {  	_ =	shalt  }
0x3f: {  	_ =	shalt  }
0x40: {  	_ =	shalt  }
0x41: {  	_ =	shalt  }
0x42: {  	_ =	shalt  }
0x43: {  	_ =	shalt  }
0x44: {  	_ =	shalt  }
0x45: {  	_ =	shalt  }
0x46: {  	_ =	shalt  }
0x47: {  	_ =	shalt  }
0x48: {  	_ =	shalt  }
0x49: {  	_ =	shalt  }
0x4a: {  	_ =	shalt  }
0x4b: {  	_ =	shalt  }
0x4c: {  	_ =	shalt  }
0x4d: {  	_ =	shalt  }
0x4e: {  	_ =	shalt  }
0x4f: {  	_ =	shalt  }
0x50: {  	_ =	shalt  }
0x51: {  	_ =	shalt  }
0x52: {  	_ =	shalt  }
0x53: {  	_ =	shalt  }
0x54: {  	_ =	shalt  }
0x55: {  	_ =	shalt  }
0x56: {  	_ =	shalt  }
0x57: {  	_ =	shalt  }
0x58: {  	_ =	shalt  }
0x59: {  	_ =	shalt  }
0x5a: {  	_ =	shalt  }
0x5b: {  	_ =	shalt  }
0x5c: {  	_ =	shalt  }
0x5d: {  	_ =	shalt  }
0x5e: {  	_ =	shalt  }
0x5f: {  	_ =	shalt  }
0x60: {  	_ =	shalt  }
0x61: {  	_ =	shalt  }
0x62: {  	_ =	shalt  }
0x63: {  	_ =	shalt  }
0x64: {  	_ =	shalt  }
0x65: {  	_ =	shalt  }
0x66: {  	_ =	shalt  }
0x67: {  	_ =	shalt  }
0x68: {  	_ =	shalt  }
0x69: {  	_ =	shalt  }
0x6a: {  	_ =	shalt  }
0x6b: {  	_ =	shalt  }
0x6c: {  	_ =	shalt  }
0x6d: {  	_ =	shalt  }
0x6e: {  	_ =	shalt  }
0x6f: {  	_ =	shalt  }
0x70: {  	_ =	shalt  }
0x71: {  	_ =	shalt  }
0x72: {  	_ =	shalt  }
0x73: {  	_ =	shalt  }
0x74: {  	_ =	shalt  }
0x75: {  	_ =	shalt  }
0x76: {  	_ =	shalt  }
0x77: {  	_ =	shalt  }
0x78: {  	_ =	shalt  }
0x79: {  	_ =	shalt  }
0x7a: {  	_ =	shalt  }
0x7b: {  	_ =	shalt  }
0x7c: {  	_ =	shalt  }
0x7d: {  	_ =	shalt  }
0x7e: {  	_ =	shalt  }
0x7f: {  	_ =	shalt  }
0x80: {  	_ =	shalt  }
0x81: {  	_ =	shalt  }
0x82: {  	_ =	shalt  }
0x83: {  	_ =	shalt  }
0x84: {  	_ =	shalt  }
0x85: {  	_ =	shalt  }
0x86: {  	_ =	shalt  }
0x87: {  	_ =	shalt  }
.Lfunc_end0:
.L_simem_size_0:
called_computation.1_lowered:
.L_overlay_start_0:
0x88: {  	s2 =	sld [smem:$0x3FD9]  }
0x89: {  	s3 =	sld [smem:$0x3FFE];
	_ =	sdelay $0x1  }
0x8a: {  	s1 =	srdreg.scid  }
0x8b: {  	s0 =	sand.u32 $0x1, s1  }
0x8c: {  	s17 =	sshll.u32 s0, $0xA;
	s2 =	sadd.s32 s3, s2  }
0x8d: {  	s2 =	sadd.s32 s2, s17  }
0x8e: {  	[smem:$0x3FC6] =	sst s2  }
0x8f: {  	_ = 	snop  }
0x90: {  	(tm) =	ssettm $0x1  }
0x91: {  	s18 =	sld [smem:$0x3FFB];
	_ =	sdelay $0x3  }
0x92: {  	_ =	strace s18  }
0x93: {  	s2 =	sld [smem:$0x3FFC];
	_ =	sdelay $0x3  }
0x94: {  	_ =	strace s2  }
0x95: {  	s2 =	sld [smem:$0x3FFD];
	_ =	sdelay $0x3  }
0x96: {  	_ =	strace s2  }
0x97: {  	_ =	strace $0x8FFFFFFF  }
0x98: {  	s19 =	sld [smem:$0x3FDB];
	_ =	sdelay $0x1  }
0x99: {  	s20 =	simm.s32 $_scs_section_size  }
0x9a: {  	s4 =	simm.s32 $_size__tile_overlayer_lowered;
	s5 =	simm.s32 $_tile_overlayer_lowered  }
0x9b: {  	s6 =	simm.s32 $0x1BFF;
	s21 =	sshll.u32 s5, $0x1;
	s3 =	sadd.s32 s20, s19  }
0x9c: {  	s22 =	simm.s32 $0x0;
	s4 =	sshll.u32 s4, $0x1;
	s5 =	sadd.s32 s21, s3  }
0x9d: {  	[timem:s22], [sflag:s6] =	dma.local [hbm:s5], s4  }
0x9e: {  	_ =	swait.ge [sflag:s6], s4  }
0x9f: {  	s4 =	ssub.s32 $0x0, s4;
	[sflag:s6] =	ssyncset.done $0x0  }
0xa0: {  	[sflag:s6] =	ssyncadd.s32 s4;
	_ =	sdelay $0x1  }
0xa1: {  	s23 =	simm.s32 $0x1B8B  }
0xa2: {  	_ =	swait.ge [sflag:s23], $0x1  }
0xa3: {  	[sflag:s23] =	ssyncset.done $0x0  }
0xa4: {  	[sflag:s23] =	ssyncadd.s32 $0xFFFFFFFF  }
0xa5: {  	s4 =	sld [smem:$0x0]  }
0xa6: {  	s5 =	sand.u32 $0xFFFFFFFE, s1  }
0xa7: {  	p0 =	sne.s32 s1, s5  }
0xa8: {  	s5 =	sshll.u32 @p0 s5, $0xE  }
0xa9: {  	s5 =	sadd.s32 @p0 $0x11B8D, s5;
	s6 =	sshll.u32 @p0 s4, $0x11  }
0xaa: {  	s5 =	sor.u32 @p0 s6, s5  }
0xab: {  	[sflag:s5] =	ssyncadd.remote.s32 @p0 $0x1;
	_ =	sdelay $0x1  }
0xac: {  	s5 =	simm.s32 @p0 $0x1B8D  }
0xad: {  	_ =	swait.eq @p0 [sflag:s5], $0x1  }
0xae: {  	[sflag:s5] =	ssyncadd.s32 @p0 $0xFFFFFFFF  }
0xaf: {  	s6 =	sshll.u32 @!p0 s1, $0xE  }
0xb0: {  	s6 =	sor.u32 @!p0 $0x4000, s6;
	s5 =	simm.s32 @!p0 $0x1B8D  }
0xb1: {  	s4 =	sshll.u32 @!p0 s4, $0x11;
	s6 =	sadd.s32 @!p0 $0x11B8D, s6;
	_ =	swait.eq @!p0 [sflag:s5], $0x1  }
0xb2: {  	s4 =	sor.u32 @!p0 s4, s6;
	[sflag:s5] =	ssyncadd.s32 @!p0 $0xFFFFFFFF  }
0xb3: {  	s25 =	simm.s32 $0x1B8E;
	s24 =	sld [smem:$0x3FFE];
	[sflag:s4] =	ssyncadd.remote.s32 @!p0 $0x1  }
0xb4: {  	s26 =	simm.s32 $execute0_lowered;
	[smem:$0x3FD2] =	sst s25  }
0xb5: {  	s5 =	sshll.u32 s26, $0x1;
	_ =	strace $0x80000049;
	[dreg:$0x1] =	wrdreg $0xFFFFFFFF  }
0xb6: {  	s28 =	simm.s32 $_size_execute0_lowered;
	s3 =	sadd.s32 s3, s5;
	[dreg:$0x0] =	wrdreg $0x0  }
0xb7: {  	s5 =	sshll.u32 s28, $0x1;
	[dreg:$0x2] =	wrdreg s3  }
0xb8: {  	[dreg:$0x3] =	wrdreg s5  }
0xb9: {  	[dreg:$0x4] =	wrdreg $0xC0  }
0xba: {  	_ =	task [dreg:s22], $0x5FFFF  }
0xbb: {  	[dreg:$0x1] =	wrdreg $0xFFFFFFFF  }
0xbc: {  	[dreg:$0x0] =	wrdreg $0x60  }
0xbd: {  	[dreg:$0x2] =	wrdreg s24  }
0xbe: {  	[dreg:$0x3] =	wrdreg $0xA  }
0xbf: {  	_ =	task.clear_ibuf [dreg:s22], $0x4FFFF;
	_ =	strace $0x90000049  }
0xc0: {  	s29 =	simm.s32 $0xA;
	_ =	strace $0x8000004B  }
0xc1: {  	_ =	swait.ge [sflag:s29], $0x1  }
0xc2: {  	[sflag:s29] =	ssyncadd.s32 $0xFFFFFFFF  }
0xc3: {  	_ =	strace $0x9000004B  }
0xc4: {  	_ =	sfence  }
0xc5: {  	s30 =	sld [smem:$0x0];
	_ =	sdelay $0x2  }
0xc6: {  	s31 =	sshll.u32 s1, $0xD;
	s1 =	sshrl.u32 s1, $0x2  }
0xc7: {  	s4 =	sand.u32 $0x4000, s31;
	s1 =	sadd.s32 s1, s30  }
0xc8: {  	s0 =	sor.u32 s4, s0;
	s1 =	sshll.u32 s1, $0x11  }
0xc9: {  	s0 =	sor.u32 s1, s0  }
0xca: {  	s0 =	sadd.s32 $0x8F2B, s0  }
0xcb: {  	[sflag:s0] =	ssyncadd.remote.s32 $0x1  }
0xcc: {  	_ =	sfence.sel $0xFFFF  }
0xcd: {  	[dreg:$0x0] =	wrdreg $0xFFFFFFFF;
	(pc) =	sbr.abs _section_cstart, $3  }
0xce: {  	[dreg:$0x1] =	wrdreg $0xFFFFFFFF  }
0xcf: {  	_ =	task.clear_ibuf [dreg:s22], $0x2FFFF;
	_ =	strace $0x9FFFFFFF  }
0xd0: {  	(tm) =	ssettm $0x7FFFFFFF  }
0xd1: {  	_ =	shalt  }
tec
execute0_lowered:
.L_overlay_start_1:
0x0: {  	(tag) =	ssettag $0x1  }
0x1: {  	s1 =	srdreg.scid;
	s0 =	stileid.u32  }
0x2: {  	s3 =	rddreg [dreg:$0x0];
	s2 =	simm.s32 $0x0;
	s8 =	simm.s32 $0x4000  }
0x3: {  	s9 =	simm.s32 $0x4100;
	s10 =	simm.s32 $0x3D00;
	s11 =	simm.s32 $0x0  }
0x4: {  	s4 =	sand.u32 $0x1, s1;
	s5 =	sshll.u32 s0, $0x1;
	s1 =	rddreg [dreg:$0x1]  }
0x5: {  	[smem:$0x7FF] =	sst s2;
	s5 =	sor.u32 s4, s5;
	s4 =	ssub.s32 $0x2, s4  }
0x6: {  	v0 =	vlaneseq.u32;
	s6 =	smul.u32 $0x7A0, s5;
	s5 =	sshll.u32 s5, $0x6;
	s7 =	sshrl.u32 s4, $0x1  }
0x7: {  	v0 =	vmul.u32 $0x10, v0;
	_ =	strace $0x8000004A;
	s5 =	sadd.s32 s5, s3;
	s7 =	ssub.s32 s4, s7  }
0x8: {  	v1 =	vimm.f32 $0.0e+00;
	s6 =	sadd.s32 s6, s3;
	s4 =	sadd.s32 $0x1F200, s5;
	s5 =	smax.u32 s7, $0x1  }
0x9: {  	v2 =	vimm.f32 $1.000000000e+00;
	v3 =	vimm.s32 $0x0;
	v4 =	vor.u32 $0xF, v0;
	s7 =	simm.s32 $0x3F00;
	s3 =	sadd.s32 $0xFE00, s6;
	s6 =	simm.s32 $0x1  }
.LBB2_1:
0xa: {  	[tilespmem:s2], [sflag:$0x1] =	stream.linear.gather [hbm4b:s3+s2], $0x3D00, $0x38;
	[tilespmem:$0x4200] =	vst v63  }
0xb: {  	_ =	swait.ge [sflag:s6], $0x3D00  }
0xc: {  	[sflag:s6] =	ssyncset.done $0x0  }
0xd: {  	[sflag:s6] =	ssyncadd.s32 $0xFFFFC300  }
0xe: {  	[tilespmem:$0x3F00] =	vst v1  }
0xf: {  	[tilespmem:$0x4000] =	vst v1  }
0x10: {  	[tilespmem:$0x4100] =	vst v1  }
0x11: {  	[tilespmem:$0x3F10] =	vst v1  }
0x12: {  	[tilespmem:$0x4010] =	vst v1  }
0x13: {  	[tilespmem:$0x4110] =	vst v1  }
0x14: {  	[tilespmem:$0x3F20] =	vst v1  }
0x15: {  	[tilespmem:$0x4020] =	vst v1  }
0x16: {  	[tilespmem:$0x4120] =	vst v1  }
0x17: {  	[tilespmem:$0x3F30] =	vst v1  }
0x18: {  	[tilespmem:$0x4030] =	vst v1  }
0x19: {  	[tilespmem:$0x4130] =	vst v1  }
0x1a: {  	[tilespmem:$0x3F40] =	vst v1  }
0x1b: {  	[tilespmem:$0x4040] =	vst v1  }
0x1c: {  	[tilespmem:$0x4140] =	vst v1  }
0x1d: {  	[tilespmem:$0x3F50] =	vst v1  }
0x1e: {  	[tilespmem:$0x4050] =	vst v1  }
0x1f: {  	[tilespmem:$0x4150] =	vst v1  }
0x20: {  	[tilespmem:$0x3F60] =	vst v1  }
0x21: {  	[tilespmem:$0x4060] =	vst v1  }
0x22: {  	[tilespmem:$0x4160] =	vst v1  }
0x23: {  	[tilespmem:$0x3F70] =	vst v1  }
0x24: {  	[tilespmem:$0x4070] =	vst v1  }
0x25: {  	[tilespmem:$0x4170] =	vst v1  }
0x26: {  	[tilespmem:$0x3F80] =	vst v1  }
0x27: {  	[tilespmem:$0x4080] =	vst v1  }
0x28: {  	[tilespmem:$0x4180] =	vst v1  }
0x29: {  	[tilespmem:$0x3F90] =	vst v1  }
0x2a: {  	[tilespmem:$0x4090] =	vst v1  }
0x2b: {  	[tilespmem:$0x4190] =	vst v1  }
0x2c: {  	[tilespmem:$0x3FA0] =	vst v1  }
0x2d: {  	[tilespmem:$0x40A0] =	vst v1  }
0x2e: {  	[tilespmem:$0x41A0] =	vst v1  }
0x2f: {  	[tilespmem:$0x3FB0] =	vst v1  }
0x30: {  	[tilespmem:$0x40B0] =	vst v1  }
0x31: {  	[tilespmem:$0x41B0] =	vst v1  }
0x32: {  	[tilespmem:$0x3FC0] =	vst v1  }
0x33: {  	[tilespmem:$0x40C0] =	vst v1  }
0x34: {  	[tilespmem:$0x41C0] =	vst v1  }
0x35: {  	[tilespmem:$0x3FD0] =	vst v1  }
0x36: {  	[tilespmem:$0x40D0] =	vst v1  }
0x37: {  	[tilespmem:$0x41D0] =	vst v1  }
0x38: {  	[tilespmem:$0x3FE0] =	vst v1  }
0x39: {  	[tilespmem:$0x40E0] =	vst v1  }
0x3a: {  	[tilespmem:$0x41E0] =	vst v1  }
0x3b: {  	[tilespmem:$0x3FF0] =	vst v1  }
0x3c: {  	[tilespmem:$0x40F0] =	vst v1  }
0x3d: {  	s12 =	simm.s32 $0x0;
	[tilespmem:$0x41F0] =	vst v1  }
0x3e: {  	v5 =	vld [tilespmem:s12+$0x0]  }
0x3f: {  	s12 =	simm.s32 $0x40  }
.LBB2_2:
0x40: {  	p0 =	sne.s32 s12, $0xF3C0;
	_ =	sdelay $0x2  }
0x41: {  	v6 =	vand.u32 $0x7FFFFFFF, v5  }
0x42: {  	v7 =	vmul.f32 $1.000000000e+01, v6;
	_ =	sdelay $0x1  }
0x43: {  	v8 =	vtrunc.f32 v7  }
0x44: {  	v9 =	vcvt.f32.s32 v8;
	vm0 =	veq.f32 v7, v8  }
0x45: {  	v8 =	vsel vm0, $0xFFFFFFFF, v3  }
0x46: {  	v8 =	vadd.s32 v9, v8  }
0x47: {  	vm0 =	vgt.s32 v8, $0x0  }
0x48: {  	v8 =	vnsel vm0, $0x0, v8  }
0x49: {  	vm0 =	vgt.f32 v7, $0.0e+00;
	v7 =	vadd.s32 v0, v8  }
0x4a: {  	v7 =	vsel vm0, v7, v4;
	_ =	sdelay $0x4  }
.Ltmp0:
0x4b: {  	vm0 =	vgt.f32 v5, $0.0e+00;
	[tilespmem:v7+s7+$0x0] =	vst.idx.add.f32.msk $0xffff, v2;
	(pc) =	sbr.rel @p0 .LBB2_2-.Ltmp0, $4  }
0x4c: {  	v5 =	vsel vm0, $0x3F800000, v1;
	[tilespmem:v7+s8+$0x0] =	vst.idx.add.f32.msk $0xffff, v6  }
0x4d: {  	s13 =	sshra.s32 s12, $0x2;
	[tilespmem:v7+s9+$0x0] =	vst.idx.add.f32.msk $0xffff, v5  }
0x4e: {  	v5 =	vld [tilespmem:s13+$0x0]  }
0x4f: {  	s12 =	sadd.s32 $0x40, s12  }
0x50: {  	_ =	sdelay $0x2  }
0x51: {  	v6 =	vand.u32 $0x7FFFFFFF, v5  }
0x52: {  	v7 =	vmul.f32 $1.000000000e+01, v6;
	_ =	sdelay $0x1  }
0x53: {  	v8 =	vtrunc.f32 v7  }
0x54: {  	v9 =	vcvt.f32.s32 v8;
	vm0 =	veq.f32 v7, v8  }
0x55: {  	v8 =	vsel vm0, $0xFFFFFFFF, v3  }
0x56: {  	v8 =	vadd.s32 v9, v8  }
0x57: {  	vm13 =	vgt.s32 v8, $0x0  }
0x58: {  	v8 =	vnsel vm13, $0x0, v8  }
0x59: {  	vm14 =	vgt.f32 v7, $0.0e+00;
	v7 =	vadd.s32 v0, v8  }
0x5a: {  	v7 =	vsel vm14, v7, v4;
	_ =	sdelay $0x4  }
0x5b: {  	vm15 =	vgt.f32 v5, $0.0e+00;
	[tilespmem:v7+s7+$0x0] =	vst.idx.add.f32.msk $0xffff, v2  }
0x5c: {  	v5 =	vsel vm15, $0x3F800000, v1;
	[tilespmem:v7+s8+$0x0] =	vst.idx.add.f32.msk $0xffff, v6  }
0x5d: {  	[tilespmem:v7+s9+$0x0] =	vst.idx.add.f32.msk $0xffff, v5  }
0x5e: {  	v5 =	vld [tilespmem:$0x3F00]  }
0x5f: {  	v6 =	vld [tilespmem:$0x4000]  }
0x60: {  	v7 =	vld [tilespmem:$0x4100]  }
0x61: {  	v36 =	vld [tilespmem:$0x3F10]  }
0x62: {  	v37 =	vld [tilespmem:$0x4010]  }
0x63: {  	v10 =	vld [tilespmem:$0x4110]  }
0x64: {  	v11 =	vld [tilespmem:$0x3F20]  }
0x65: {  	v12 =	vld [tilespmem:$0x4020]  }
0x66: {  	v13 =	vld [tilespmem:$0x4120]  }
0x67: {  	v14 =	vld [tilespmem:$0x3F30]  }
0x68: {  	v15 =	vld [tilespmem:$0x4030]  }
0x69: {  	v16 =	vld [tilespmem:$0x4130]  }
0x6a: {  	v17 =	vld [tilespmem:$0x3F40]  }
0x6b: {  	v18 =	vld [tilespmem:$0x4040]  }
0x6c: {  	v19 =	vld [tilespmem:$0x4140]  }
0x6d: {  	v20 =	vld [tilespmem:$0x3F50]  }
0x6e: {  	v21 =	vld [tilespmem:$0x4050]  }
0x6f: {  	v22 =	vld [tilespmem:$0x4150]  }
0x70: {  	v23 =	vld [tilespmem:$0x3F60]  }
0x71: {  	v24 =	vld [tilespmem:$0x4060]  }
0x72: {  	v25 =	vld [tilespmem:$0x4160]  }
0x73: {  	v26 =	vld [tilespmem:$0x3F70]  }
0x74: {  	v38 =	vld [tilespmem:$0x4070];
	v5 =	vadd.f32 v36, v5  }
0x75: {  	v39 =	vld [tilespmem:$0x4170];
	v6 =	vadd.f32 v37, v6  }
0x76: {  	v40 =	vld [tilespmem:$0x3F80];
	v7 =	vadd.f32 v10, v7;
	v5 =	vadd.f32 v11, v5  }
0x77: {  	v41 =	vld [tilespmem:$0x4080];
	v6 =	vadd.f32 v12, v6  }
0x78: {  	v42 =	vld [tilespmem:$0x4180];
	v7 =	vadd.f32 v13, v7;
	v5 =	vadd.f32 v14, v5  }
0x79: {  	v43 =	vld [tilespmem:$0x3F90];
	v6 =	vadd.f32 v15, v6  }
0x7a: {  	v44 =	vld [tilespmem:$0x4090];
	v7 =	vadd.f32 v16, v7;
	v5 =	vadd.f32 v17, v5  }
0x7b: {  	v45 =	vld [tilespmem:$0x4190];
	v6 =	vadd.f32 v18, v6  }
0x7c: {  	v46 =	vld [tilespmem:$0x3FA0];
	v7 =	vadd.f32 v19, v7;
	v5 =	vadd.f32 v20, v5  }
0x7d: {  	v47 =	vld [tilespmem:$0x40A0];
	v6 =	vadd.f32 v21, v6  }
0x7e: {  	v48 =	vld [tilespmem:$0x41A0];
	v7 =	vadd.f32 v22, v7;
	v5 =	vadd.f32 v23, v5  }
0x7f: {  	v49 =	vld [tilespmem:$0x3FB0];
	v6 =	vadd.f32 v24, v6  }
0x80: {  	v50 =	vld [tilespmem:$0x40B0];
	v7 =	vadd.f32 v25, v7;
	v5 =	vadd.f32 v26, v5  }
0x81: {  	v51 =	vld [tilespmem:$0x41B0];
	v6 =	vadd.f32 v38, v6  }
0x82: {  	v52 =	vld [tilespmem:$0x3FC0];
	v7 =	vadd.f32 v39, v7;
	v5 =	vadd.f32 v40, v5  }
0x83: {  	v53 =	vld [tilespmem:$0x40C0];
	v6 =	vadd.f32 v41, v6  }
0x84: {  	v54 =	vld [tilespmem:$0x41C0];
	v7 =	vadd.f32 v42, v7;
	v5 =	vadd.f32 v43, v5  }
0x85: {  	v55 =	vld [tilespmem:$0x3FD0];
	v6 =	vadd.f32 v44, v6  }
0x86: {  	v56 =	vld [tilespmem:$0x40D0];
	v7 =	vadd.f32 v45, v7;
	v5 =	vadd.f32 v46, v5  }
0x87: {  	v57 =	vld [tilespmem:$0x41D0];
	v6 =	vadd.f32 v47, v6  }
0x88: {  	v58 =	vld [tilespmem:$0x3FE0];
	v7 =	vadd.f32 v48, v7;
	v5 =	vadd.f32 v49, v5  }
0x89: {  	v59 =	vld [tilespmem:$0x40E0];
	v6 =	vadd.f32 v50, v6  }
0x8a: {  	v60 =	vld [tilespmem:$0x41E0];
	v7 =	vadd.f32 v51, v7;
	v5 =	vadd.f32 v52, v5  }
0x8b: {  	v61 =	vld [tilespmem:$0x3FF0];
	v6 =	vadd.f32 v53, v6  }
0x8c: {  	v62 =	vld [tilespmem:$0x40F0];
	v7 =	vadd.f32 v54, v7;
	v5 =	vadd.f32 v55, v5  }
0x8d: {  	v63 =	vld [tilespmem:$0x41F0];
	v6 =	vadd.f32 v56, v6  }
0x8e: {  	v7 =	vadd.f32 v57, v7;
	v5 =	vadd.f32 v58, v5  }
0x8f: {  	v6 =	vadd.f32 v59, v6  }
0x90: {  	v7 =	vadd.f32 v60, v7;
	v5 =	vadd.f32 v61, v5  }
0x91: {  	v6 =	vadd.f32 v62, v6  }
0x92: {  	s11 =	sadd.s32 $0x1, s11;
	v7 =	vadd.f32 v63, v7;
	[tilespmem:$0x3D00] =	vst v5  }
0x93: {  	p0 =	sne.s32 s11, s5;
	[tilespmem:$0x3D80] =	vst v6  }
.Ltmp1:
0x94: {  	[tilespmem:$0x3E00] =	vst v7;
	(pc) =	sbr.rel @p0 .LBB2_1-.Ltmp1, $4  }
0x95: {  	[hbm4b:s4+s2] =	stream.linear.scatter [tilespmem:s10], [sflag:$0x1], $0x180, $0x38;
	[tilespmem:$0x4200] =	vst v63  }
0x96: {  	_ =	swait.ge [sflag:s6], $0x180  }
0x97: {  	[sflag:s6] =	ssyncset.done $0x0  }
0x98: {  	[sflag:s6] =	ssyncadd.s32 $0xFFFFFE80  }
0x99: {  	_ =	sfence.sel $0x180000  }
0x9a: {  	[bflag:$0x0] =	sbarrier.arrive $0xFFFF  }
0x9b: {  	p0 =	sne.s32 s0, $0x0;
	_ =	strace $0x9000004A  }
0x9c: {  	s0 =	sadd.s32 @!p0 $0x100000, s1;
	[bflag:$0x2] =	sbarrier.arrive $0xFFFF  }
0x9d: {  	[sflag:s0] =	ssyncadd.tile.s32 @!p0 $0x1;
	_ =	shalt  }
.Lfunc_end2:
_tile_overlayer_lowered:
.L_overlay_start_2:
0x9e: {  	(tag) =	ssettag $0x2  }
0x9f: {  	s0 =	rddreg [dreg:$0x0];
	s2 =	stileid.u32  }
0xa0: {  	s1 =	rddreg [dreg:$0x1];
	p0 =	sne.s32 s2, $0x0  }
0xa1: {  	s3 =	rddreg [dreg:$0x2];
	[bflag:$0x3] =	sbarrier.arrive $0xFFFF;
	s2 =	simm.s32 @!p0 $0x1C01  }
0xa2: {  	[timem:s3], [sflag:s2] =	dma.local @!p0 [hbm:s0], s1  }
0xa3: {  	s0 =	simm.s32 @!p0 $0x1  }
0xa4: {  	_ =	swait.ge @!p0 [sflag:s0], s1  }
0xa5: {  	s1 =	ssub.s32 @!p0 $0x0, s1;
	[sflag:s0] =	ssyncset.done @!p0 $0x0  }
0xa6: {  	[sflag:s0] =	ssyncadd.s32 @!p0 s1  }
0xa7: {  	[bflag:$0x3] =	sbarrier.arrive $0xFFFF  }
0xa8: {  	_ =	shalt  }

</sc_bundles>
